<compile_context>
chip_gen: v7x
topology: tpu7x:2x2x1
jax: 0.10.2.dev20260603
libtpu: 0.0.44.dev20260713+nightly
codegen_flags: <defaults>
</compile_context>

<pallas_src>
import jax
import jax.numpy as jnp
from jax import lax
from jax.experimental import pallas as pl
from jax.experimental.pallas import tpu as pltpu
from jax.experimental.pallas import tpu_sc as plsc

_D = 64
_ROPE_BASE = 10000.0
_NC = 2
_NS = 16
_NW = _NC * _NS
_BPW = 128
_PAD = 128

def _rope_body(x_hbm, table_hbm, trig_hbm, out_hbm,
               tb0, tb1, ib0, ib1, trig_v, rows0, rows1, ob0, ob1,
               sg0, sg1, sw0, sw1):
    seq = trig_hbm.shape[0]
    wid = lax.axis_index("s") * _NC + lax.axis_index("c")
    b0 = wid * _BPW
    g1 = (seq // 2 + 7) // 8 * 8
    g2 = seq - g1

    pltpu.sync_copy(trig_hbm, trig_v)

    rows = (rows0, rows1)
    ob = (ob0, ob1)
    tb = (tb0, tb1)
    ib = (ib0, ib1)
    sg = (sg0, sg1)
    sw = (sw0, sw1)

    def _stage(c, j):
        pltpu.sync_copy(x_hbm.at[pl.ds((b0 + c) * seq, seq)],
                        tb[j].at[pl.ds(0, seq)])
        for g in range((seq + 15) // 16):
            o = min(g * 16, seq - 16)
            tok = tb[j][pl.ds(o, 16)]
            ib[j][pl.ds(o, 16)] = lax.shift_right_logical(tok, 1)
        pltpu.async_copy(table_hbm.at[ib[j].at[pl.ds(0, g1)]],
                         rows[j].at[pl.ds(0, g1)], sg[j])
        pltpu.async_copy(table_hbm.at[ib[j].at[pl.ds(g1, g2)]],
                         rows[j].at[pl.ds(g1, g2)], sg[j])

    _stage(0, 0)

    def step(c2, carry):
        for p in range(2):
            c = c2 * 2 + p

            @pl.when(c + 1 < _BPW)
            def _fire_next():
                _stage(c + 1, 1 - p)

            pltpu.make_async_copy(table_hbm.at[ib[p].at[pl.ds(0, g1)]],
                                  rows[p].at[pl.ds(0, g1)], sg[p]).wait()
            pltpu.make_async_copy(table_hbm.at[ib[p].at[pl.ds(g1, g2)]],
                                  rows[p].at[pl.ds(g1, g2)], sg[p]).wait()

            @pl.when(c >= 2)
            def _drain_write():
                pltpu.make_async_copy(ob[p], out_hbm.at[b0 + c], sw[p]).wait()

            rp = rows[p]
            op = ob[p]
            tp = tb[p]

            @plsc.parallel_loop(0, seq, 1, unroll=8)
            def _rope_row(r):
                tok = tp[pl.ds(r, 16)][0]
                off = lax.shift_left(tok & 1, 6)
                c0 = trig_v[r, pl.ds(0, 16)]
                c1 = trig_v[r, pl.ds(16, 16)]
                s0 = trig_v[r, pl.ds(32, 16)]
                s1 = trig_v[r, pl.ds(48, 16)]
                ns0 = trig_v[r, pl.ds(64, 16)]
                ns1 = trig_v[r, pl.ds(80, 16)]
                h0 = rp[r, pl.ds(off, 16)]
                h1 = rp[r, pl.ds(off + 16, 16)]
                h2 = rp[r, pl.ds(off + 32, 16)]
                h3 = rp[r, pl.ds(off + 48, 16)]
                op[r, pl.ds(0, 16)] = h0 * c0 + h2 * ns0
                op[r, pl.ds(16, 16)] = h1 * c1 + h3 * ns1
                op[r, pl.ds(32, 16)] = h2 * c0 + h0 * s0
                op[r, pl.ds(48, 16)] = h3 * c1 + h1 * s1

            pltpu.async_copy(ob[p], out_hbm.at[b0 + c], sw[p])
        return carry

    lax.fori_loop(0, _BPW // 2, step, 0)

    pltpu.make_async_copy(ob[0], out_hbm.at[b0], sw[0]).wait()
    pltpu.make_async_copy(ob[1], out_hbm.at[b0 + 1], sw[1]).wait()


def kernel(x, emb_table, pos_table):
    del pos_table
    b, l = x.shape
    v = emb_table.shape[0]

    table_p = emb_table.reshape(v // 2, _PAD)

    idx = x.reshape(b * l).astype(jnp.int32)

    half = _D // 2
    fi = jnp.arange(half, dtype=jnp.float32)
    freqs = 1.0 / (_ROPE_BASE ** (fi / half))
    ang = jnp.arange(l, dtype=jnp.float32)[:, None] * freqs[None, :]
    cos, sin = jnp.cos(ang), jnp.sin(ang)
    trig = jnp.concatenate(
        [cos, sin, -sin, jnp.zeros((l, half), jnp.float32)], axis=1)

    mesh = plsc.VectorSubcoreMesh(core_axis_name="c", subcore_axis_name="s")
    out = pl.kernel(
        _rope_body,
        out_type=jax.ShapeDtypeStruct((b, l, _D), jnp.float32),
        mesh=mesh,
        scratch_types=[
            pltpu.VMEM((l + 16,), jnp.int32),
            pltpu.VMEM((l + 16,), jnp.int32),
            pltpu.VMEM((l,), jnp.int32),
            pltpu.VMEM((l,), jnp.int32),
            pltpu.VMEM((l, _PAD), jnp.float32),
            pltpu.VMEM((l, _PAD), jnp.float32),
            pltpu.VMEM((l, _PAD), jnp.float32),
            pltpu.VMEM((l, _D), jnp.float32),
            pltpu.VMEM((l, _D), jnp.float32),
            pltpu.SemaphoreType.DMA,
            pltpu.SemaphoreType.DMA,
            pltpu.SemaphoreType.DMA,
            pltpu.SemaphoreType.DMA,
        ],
    )(idx, table_p, trig)
    return out

# --- scband reference (transcript-rebuilt; emitter-appended) ---
"""Pipeline reference for scband-master-model-65335042507249 (READ-ONLY COPY).

The authoritative reference and input builder live on the scoring server;
editing this copy changes nothing except your own understanding.
"""

import jax, jax.numpy as jnp
import numpy as np

VOCAB_SIZE = 1000000
EMBEDDING_DIM = 64
CONTEXT_LENGTH = 200
BATCH = 4096
SEQ = 200
ROPE_BASE = 10000.0


def _rotary_position_encoding(h):
    # h: [B, L, D], D even
    B, L, D = h.shape
    half = D // 2
    freqs_indices = jnp.arange(0, half, dtype=jnp.float32)
    freqs = 1.0 / (ROPE_BASE ** (freqs_indices / half))
    positions = jnp.arange(0, L, dtype=jnp.float32)[:, None]
    angles = positions * freqs  # [L, half]
    sin_angles = jnp.sin(angles)[None, :, :]
    cos_angles = jnp.cos(angles)[None, :, :]
    x1 = h[:, :, :half]
    x2 = h[:, :, half:]
    rotated_x1 = x1 * cos_angles - x2 * sin_angles
    rotated_x2 = x1 * sin_angles + x2 * cos_angles
    return jnp.concatenate([rotated_x1, rotated_x2], axis=-1)


def setup_inputs(seed: int = 0) -> dict:
    key = jax.random.key(seed)
    k_idx, k_emb, k_pos = jax.random.split(key, 3)
    x = jax.random.randint(k_idx, (BATCH, SEQ), 0, VOCAB_SIZE, dtype=jnp.int64 if jax.config.jax_enable_x64 else jnp.int32)
    emb_table = jax.random.normal(k_emb, (VOCAB_SIZE, EMBEDDING_DIM), dtype=jnp.float32)
    pos_table = jax.random.normal(k_pos, (CONTEXT_LENGTH, EMBEDDING_DIM), dtype=jnp.float32)
    return {"x": x, "emb_table": emb_table, "pos_table": pos_table}


def reference(x, emb_table, pos_table):
    # nn.Embedding lookup -> gather rows
    h = jnp.take(emb_table, x, axis=0)  # [B, L, D]
    # rotary position encoding applied to embedded tokens
    out = _rotary_position_encoding(h)
    # pos_table is a learned parameter of the module but unused in forward
    return out

if __name__ == "__main__":
    import jax
    _d = setup_inputs()
    print(jax.jit(kernel)(*tuple(_d.values())))

</pallas_src>

<mosaic_0001>
#map = affine_map<(d0, d1) -> (0)>
#map1 = affine_map<(d0, d1) -> (0, 0)>
#map2 = affine_map<(d0, d1) -> (0, 0, 0)>
module attributes {stable_mosaic.version = 14 : i64} {
  func.func @_rope_body(%arg0: i32, %arg1: i32, %arg2: memref<819200xi32, #tpu.memory_space<hbm>>, %arg3: memref<500000x128xf32, #tpu.memory_space<hbm>>, %arg4: memref<200x128xf32, #tpu.memory_space<hbm>>, %arg5: memref<4096x200x64xf32, #tpu.memory_space<hbm>>, %arg6: memref<216xi32, #tpu.memory_space<vmem>>, %arg7: memref<216xi32, #tpu.memory_space<vmem>>, %arg8: memref<200xi32, #tpu.memory_space<vmem>>, %arg9: memref<200xi32, #tpu.memory_space<vmem>>, %arg10: memref<200x128xf32, #tpu.memory_space<vmem>>, %arg11: memref<200x128xf32, #tpu.memory_space<vmem>>, %arg12: memref<200x128xf32, #tpu.memory_space<vmem>>, %arg13: memref<200x64xf32, #tpu.memory_space<vmem>>, %arg14: memref<200x64xf32, #tpu.memory_space<vmem>>, %arg15: memref<!tpu.dma_semaphore, #tpu.memory_space<semaphore_mem>>, %arg16: memref<!tpu.dma_semaphore, #tpu.memory_space<semaphore_mem>>, %arg17: memref<!tpu.dma_semaphore, #tpu.memory_space<semaphore_mem>>, %arg18: memref<!tpu.dma_semaphore, #tpu.memory_space<semaphore_mem>>) attributes {dimension_semantics = [#tpu.dimension_semantics<core_parallel>, #tpu.dimension_semantics<subcore_parallel>], iteration_bounds = array<i64: 2, 16>, scalar_prefetch = 0 : i64, scratch_operands = 13 : i64, tpu.core_type = #tpu.core_type<sc_vector_subcore>, window_params = [{transform_indices = #map}, {transform_indices = #map1}, {transform_indices = #map1}, {transform_indices = #map2}]} {
    %mul3A = arith.constant 2 : i32
    %mul3A_0 = arith.muli %arg1, %mul3A : i32
    %add3A = arith.addi %mul3A_0, %arg0 : i32
    %mul3A_1 = arith.constant 128 : i32
    %mul3A_2 = arith.muli %add3A, %mul3A_1 : i32
    "tpu.region"() ({
      %run_scoped3A = tpu.sem_alloc : memref<!tpu.dma_semaphore, #tpu.memory_space<semaphore_mem>>
      tpu.enqueue_dma source(%arg4 : memref<200x128xf32, #tpu.memory_space<hbm>>) target(%arg10 : memref<200x128xf32, #tpu.memory_space<vmem>>) target_semaphore(%run_scoped3A : memref<!tpu.dma_semaphore, #tpu.memory_space<semaphore_mem>>)
      tpu.wait_dma2 semaphore(%run_scoped3A : memref<!tpu.dma_semaphore, #tpu.memory_space<semaphore_mem>>) src(%arg4 : memref<200x128xf32, #tpu.memory_space<hbm>>) dst(%arg10 : memref<200x128xf32, #tpu.memory_space<vmem>>)
      tpu.yield
    }) : () -> ()
    %add3A_3 = arith.constant 0 : i32
    %add3A_4 = arith.addi %mul3A_2, %add3A_3 : i32
    %mul3A_5 = arith.constant 200 : i32
    %mul3A_6 = arith.muli %add3A_4, %mul3A_5 : i32
    "tpu.region"() ({
      %run_scoped3A = tpu.sem_alloc : memref<!tpu.dma_semaphore, #tpu.memory_space<semaphore_mem>>
      %dma_start3A_171 = arith.constant 0 : i32
      %dma_start3A_172 = tpu.memref_slice %arg6[%dma_start3A_171] : memref<216xi32, #tpu.memory_space<vmem>> -> memref<200xi32, #tpu.memory_space<vmem>>
      %dma_start3A_173 = tpu.memref_slice %arg2[%mul3A_6] : memref<819200xi32, #tpu.memory_space<hbm>> -> memref<200xi32, #tpu.memory_space<hbm>>
      %dma_start3A_174 = arith.constant 0 : i32
      %dma_start3A_175 = tpu.memref_slice %arg6[%dma_start3A_174] : memref<216xi32, #tpu.memory_space<vmem>> -> memref<200xi32, #tpu.memory_space<vmem>>
      %dma_start3A_176 = tpu.memref_slice %arg2[%mul3A_6] : memref<819200xi32, #tpu.memory_space<hbm>> -> memref<200xi32, #tpu.memory_space<hbm>>
      tpu.enqueue_dma source(%dma_start3A_176 : memref<200xi32, #tpu.memory_space<hbm>>) target(%dma_start3A_175 : memref<200xi32, #tpu.memory_space<vmem>>) target_semaphore(%run_scoped3A : memref<!tpu.dma_semaphore, #tpu.memory_space<semaphore_mem>>)
      %dma_wait3A_177 = arith.constant 0 : i32
      %dma_wait3A_178 = tpu.memref_slice %arg6[%dma_wait3A_177] : memref<216xi32, #tpu.memory_space<vmem>> -> memref<200xi32, #tpu.memory_space<vmem>>
      %dma_wait3A_179 = tpu.memref_slice %arg2[%mul3A_6] : memref<819200xi32, #tpu.memory_space<hbm>> -> memref<200xi32, #tpu.memory_space<hbm>>
      %dma_wait3A_180 = arith.constant 0 : i32
      %dma_wait3A_181 = tpu.memref_slice %arg6[%dma_wait3A_180] : memref<216xi32, #tpu.memory_space<vmem>> -> memref<200xi32, #tpu.memory_space<vmem>>
      %dma_wait3A_182 = tpu.memref_slice %arg2[%mul3A_6] : memref<819200xi32, #tpu.memory_space<hbm>> -> memref<200xi32, #tpu.memory_space<hbm>>
      tpu.wait_dma2 semaphore(%run_scoped3A : memref<!tpu.dma_semaphore, #tpu.memory_space<semaphore_mem>>) src(%dma_wait3A_182 : memref<200xi32, #tpu.memory_space<hbm>>) dst(%dma_wait3A_181 : memref<200xi32, #tpu.memory_space<vmem>>)
      tpu.yield
    }) : () -> ()
    %get3A = arith.constant 0 : index
    %get3A_7 = tpu.vector_load %arg6[%get3A] {strides = array<i32>} : memref<216xi32, #tpu.memory_space<vmem>>, vector<16xi32>,
    %get3A_8 = vector.shape_cast %get3A_7 : vector<16xi32> to vector<16xi32>
    %shift_right_logical3A = arith.constant 1 : i32
    %shift_right_logical3A_9 = vector.broadcast %shift_right_logical3A : i32 to vector<16xi32>
    %shift_right_logical3A_10 = arith.shrui %get3A_8, %shift_right_logical3A_9 : vector<16xi32>
    %swap3A = arith.constant 0 : index
    %swap3A_11 = tpu.vector_load %arg8[%swap3A] {strides = array<i32>} : memref<200xi32, #tpu.memory_space<vmem>>, vector<16xi32>,
    %swap3A_12 = vector.shape_cast %swap3A_11 : vector<16xi32> to vector<16xi32>
    %swap3A_13 = vector.shape_cast %shift_right_logical3A_10 : vector<16xi32> to vector<16xi32>
    tpu.vector_store %arg8[%swap3A], %swap3A_13 {strides = array<i32>} : memref<200xi32, #tpu.memory_space<vmem>>, vector<16xi32>,
    %get3A_14 = arith.constant 16 : index
    %get3A_15 = tpu.vector_load %arg6[%get3A_14] {strides = array<i32>} : memref<216xi32, #tpu.memory_space<vmem>>, vector<16xi32>,
    %get3A_16 = vector.shape_cast %get3A_15 : vector<16xi32> to vector<16xi32>
    %shift_right_logical3A_17 = arith.constant 1 : i32
    %shift_right_logical3A_18 = vector.broadcast %shift_right_logical3A_17 : i32 to vector<16xi32>
    %shift_right_logical3A_19 = arith.shrui %get3A_16, %shift_right_logical3A_18 : vector<16xi32>
    %swap3A_20 = arith.constant 16 : index
    %swap3A_21 = tpu.vector_load %arg8[%swap3A_20] {strides = array<i32>} : memref<200xi32, #tpu.memory_space<vmem>>, vector<16xi32>,
    %swap3A_22 = vector.shape_cast %swap3A_21 : vector<16xi32> to vector<16xi32>
    %swap3A_23 = vector.shape_cast %shift_right_logical3A_19 : vector<16xi32> to vector<16xi32>
    tpu.vector_store %arg8[%swap3A_20], %swap3A_23 {strides = array<i32>} : memref<200xi32, #tpu.memory_space<vmem>>, vector<16xi32>,
    %get3A_24 = arith.constant 32 : index
    %get3A_25 = tpu.vector_load %arg6[%get3A_24] {strides = array<i32>} : memref<216xi32, #tpu.memory_space<vmem>>, vector<16xi32>,
    %get3A_26 = vector.shape_cast %get3A_25 : vector<16xi32> to vector<16xi32>
    %shift_right_logical3A_27 = arith.constant 1 : i32
    %shift_right_logical3A_28 = vector.broadcast %shift_right_logical3A_27 : i32 to vector<16xi32>
    %shift_right_logical3A_29 = arith.shrui %get3A_26, %shift_right_logical3A_28 : vector<16xi32>
    %swap3A_30 = arith.constant 32 : index
    %swap3A_31 = tpu.vector_load %arg8[%swap3A_30] {strides = array<i32>} : memref<200xi32, #tpu.memory_space<vmem>>, vector<16xi32>,
    %swap3A_32 = vector.shape_cast %swap3A_31 : vector<16xi32> to vector<16xi32>
    %swap3A_33 = vector.shape_cast %shift_right_logical3A_29 : vector<16xi32> to vector<16xi32>
    tpu.vector_store %arg8[%swap3A_30], %swap3A_33 {strides = array<i32>} : memref<200xi32, #tpu.memory_space<vmem>>, vector<16xi32>,
    %get3A_34 = arith.constant 48 : index
    %get3A_35 = tpu.vector_load %arg6[%get3A_34] {strides = array<i32>} : memref<216xi32, #tpu.memory_space<vmem>>, vector<16xi32>,
    %get3A_36 = vector.shape_cast %get3A_35 : vector<16xi32> to vector<16xi32>
    %shift_right_logical3A_37 = arith.constant 1 : i32
    %shift_right_logical3A_38 = vector.broadcast %shift_right_logical3A_37 : i32 to vector<16xi32>
    %shift_right_logical3A_39 = arith.shrui %get3A_36, %shift_right_logical3A_38 : vector<16xi32>
    %swap3A_40 = arith.constant 48 : index
    %swap3A_41 = tpu.vector_load %arg8[%swap3A_40] {strides = array<i32>} : memref<200xi32, #tpu.memory_space<vmem>>, vector<16xi32>,
    %swap3A_42 = vector.shape_cast %swap3A_41 : vector<16xi32> to vector<16xi32>
    %swap3A_43 = vector.shape_cast %shift_right_logical3A_39 : vector<16xi32> to vector<16xi32>
    tpu.vector_store %arg8[%swap3A_40], %swap3A_43 {strides = array<i32>} : memref<200xi32, #tpu.memory_space<vmem>>, vector<16xi32>,
    %get3A_44 = arith.constant 64 : index
    %get3A_45 = tpu.vector_load %arg6[%get3A_44] {strides = array<i32>} : memref<216xi32, #tpu.memory_space<vmem>>, vector<16xi32>,
    %get3A_46 = vector.shape_cast %get3A_45 : vector<16xi32> to vector<16xi32>
    %shift_right_logical3A_47 = arith.constant 1 : i32
    %shift_right_logical3A_48 = vector.broadcast %shift_right_logical3A_47 : i32 to vector<16xi32>
    %shift_right_logical3A_49 = arith.shrui %get3A_46, %shift_right_logical3A_48 : vector<16xi32>
    %swap3A_50 = arith.constant 64 : index
    %swap3A_51 = tpu.vector_load %arg8[%swap3A_50] {strides = array<i32>} : memref<200xi32, #tpu.memory_space<vmem>>, vector<16xi32>,
    %swap3A_52 = vector.shape_cast %swap3A_51 : vector<16xi32> to vector<16xi32>
    %swap3A_53 = vector.shape_cast %shift_right_logical3A_49 : vector<16xi32> to vector<16xi32>
    tpu.vector_store %arg8[%swap3A_50], %swap3A_53 {strides = array<i32>} : memref<200xi32, #tpu.memory_space<vmem>>, vector<16xi32>,
    %get3A_54 = arith.constant 80 : index
    %get3A_55 = tpu.vector_load %arg6[%get3A_54] {strides = array<i32>} : memref<216xi32, #tpu.memory_space<vmem>>, vector<16xi32>,
    %get3A_56 = vector.shape_cast %get3A_55 : vector<16xi32> to vector<16xi32>
    %shift_right_logical3A_57 = arith.constant 1 : i32
    %shift_right_logical3A_58 = vector.broadcast %shift_right_logical3A_57 : i32 to vector<16xi32>
    %shift_right_logical3A_59 = arith.shrui %get3A_56, %shift_right_logical3A_58 : vector<16xi32>
    %swap3A_60 = arith.constant 80 : index
    %swap3A_61 = tpu.vector_load %arg8[%swap3A_60] {strides = array<i32>} : memref<200xi32, #tpu.memory_space<vmem>>, vector<16xi32>,
    %swap3A_62 = vector.shape_cast %swap3A_61 : vector<16xi32> to vector<16xi32>
    %swap3A_63 = vector.shape_cast %shift_right_logical3A_59 : vector<16xi32> to vector<16xi32>
    tpu.vector_store %arg8[%swap3A_60], %swap3A_63 {strides = array<i32>} : memref<200xi32, #tpu.memory_space<vmem>>, vector<16xi32>,
    %get3A_64 = arith.constant 96 : index
    %get3A_65 = tpu.vector_load %arg6[%get3A_64] {strides = array<i32>} : memref<216xi32, #tpu.memory_space<vmem>>, vector<16xi32>,
    %get3A_66 = vector.shape_cast %get3A_65 : vector<16xi32> to vector<16xi32>
    %shift_right_logical3A_67 = arith.constant 1 : i32
    %shift_right_logical3A_68 = vector.broadcast %shift_right_logical3A_67 : i32 to vector<16xi32>
    %shift_right_logical3A_69 = arith.shrui %get3A_66, %shift_right_logical3A_68 : vector<16xi32>
    %swap3A_70 = arith.constant 96 : index
    %swap3A_71 = tpu.vector_load %arg8[%swap3A_70] {strides = array<i32>} : memref<200xi32, #tpu.memory_space<vmem>>, vector<16xi32>,
    %swap3A_72 = vector.shape_cast %swap3A_71 : vector<16xi32> to vector<16xi32>
    %swap3A_73 = vector.shape_cast %shift_right_logical3A_69 : vector<16xi32> to vector<16xi32>
    tpu.vector_store %arg8[%swap3A_70], %swap3A_73 {strides = array<i32>} : memref<200xi32, #tpu.memory_space<vmem>>, vector<16xi32>,
    %get3A_74 = arith.constant 112 : index
    %get3A_75 = tpu.vector_load %arg6[%get3A_74] {strides = array<i32>} : memref<216xi32, #tpu.memory_space<vmem>>, vector<16xi32>,
    %get3A_76 = vector.shape_cast %get3A_75 : vector<16xi32> to vector<16xi32>
    %shift_right_logical3A_77 = arith.constant 1 : i32
    %shift_right_logical3A_78 = vector.broadcast %shift_right_logical3A_77 : i32 to vector<16xi32>
    %shift_right_logical3A_79 = arith.shrui %get3A_76, %shift_right_logical3A_78 : vector<16xi32>
    %swap3A_80 = arith.constant 112 : index
    %swap3A_81 = tpu.vector_load %arg8[%swap3A_80] {strides = array<i32>} : memref<200xi32, #tpu.memory_space<vmem>>, vector<16xi32>,
    %swap3A_82 = vector.shape_cast %swap3A_81 : vector<16xi32> to vector<16xi32>
    %swap3A_83 = vector.shape_cast %shift_right_logical3A_79 : vector<16xi32> to vector<16xi32>
    tpu.vector_store %arg8[%swap3A_80], %swap3A_83 {strides = array<i32>} : memref<200xi32, #tpu.memory_space<vmem>>, vector<16xi32>,
    %get3A_84 = arith.constant 128 : index
    %get3A_85 = tpu.vector_load %arg6[%get3A_84] {strides = array<i32>} : memref<216xi32, #tpu.memory_space<vmem>>, vector<16xi32>,
    %get3A_86 = vector.shape_cast %get3A_85 : vector<16xi32> to vector<16xi32>
    %shift_right_logical3A_87 = arith.constant 1 : i32
    %shift_right_logical3A_88 = vector.broadcast %shift_right_logical3A_87 : i32 to vector<16xi32>
    %shift_right_logical3A_89 = arith.shrui %get3A_86, %shift_right_logical3A_88 : vector<16xi32>
    %swap3A_90 = arith.constant 128 : index
    %swap3A_91 = tpu.vector_load %arg8[%swap3A_90] {strides = array<i32>} : memref<200xi32, #tpu.memory_space<vmem>>, vector<16xi32>,
    %swap3A_92 = vector.shape_cast %swap3A_91 : vector<16xi32> to vector<16xi32>
    %swap3A_93 = vector.shape_cast %shift_right_logical3A_89 : vector<16xi32> to vector<16xi32>
    tpu.vector_store %arg8[%swap3A_90], %swap3A_93 {strides = array<i32>} : memref<200xi32, #tpu.memory_space<vmem>>, vector<16xi32>,
    %get3A_94 = arith.constant 144 : index
    %get3A_95 = tpu.vector_load %arg6[%get3A_94] {strides = array<i32>} : memref<216xi32, #tpu.memory_space<vmem>>, vector<16xi32>,
    %get3A_96 = vector.shape_cast %get3A_95 : vector<16xi32> to vector<16xi32>
    %shift_right_logical3A_97 = arith.constant 1 : i32
    %shift_right_logical3A_98 = vector.broadcast %shift_right_logical3A_97 : i32 to vector<16xi32>
    %shift_right_logical3A_99 = arith.shrui %get3A_96, %shift_right_logical3A_98 : vector<16xi32>
    %swap3A_100 = arith.constant 144 : index
    %swap3A_101 = tpu.vector_load %arg8[%swap3A_100] {strides = array<i32>} : memref<200xi32, #tpu.memory_space<vmem>>, vector<16xi32>,
    %swap3A_102 = vector.shape_cast %swap3A_101 : vector<16xi32> to vector<16xi32>
    %swap3A_103 = vector.shape_cast %shift_right_logical3A_99 : vector<16xi32> to vector<16xi32>
    tpu.vector_store %arg8[%swap3A_100], %swap3A_103 {strides = array<i32>} : memref<200xi32, #tpu.memory_space<vmem>>, vector<16xi32>,
    %get3A_104 = arith.constant 160 : index
    %get3A_105 = tpu.vector_load %arg6[%get3A_104] {strides = array<i32>} : memref<216xi32, #tpu.memory_space<vmem>>, vector<16xi32>,
    %get3A_106 = vector.shape_cast %get3A_105 : vector<16xi32> to vector<16xi32>
    %shift_right_logical3A_107 = arith.constant 1 : i32
    %shift_right_logical3A_108 = vector.broadcast %shift_right_logical3A_107 : i32 to vector<16xi32>
    %shift_right_logical3A_109 = arith.shrui %get3A_106, %shift_right_logical3A_108 : vector<16xi32>
    %swap3A_110 = arith.constant 160 : index
    %swap3A_111 = tpu.vector_load %arg8[%swap3A_110] {strides = array<i32>} : memref<200xi32, #tpu.memory_space<vmem>>, vector<16xi32>,
    %swap3A_112 = vector.shape_cast %swap3A_111 : vector<16xi32> to vector<16xi32>
    %swap3A_113 = vector.shape_cast %shift_right_logical3A_109 : vector<16xi32> to vector<16xi32>
    tpu.vector_store %arg8[%swap3A_110], %swap3A_113 {strides = array<i32>} : memref<200xi32, #tpu.memory_space<vmem>>, vector<16xi32>,
    %get3A_114 = arith.constant 176 : index
    %get3A_115 = tpu.vector_load %arg6[%get3A_114] {strides = array<i32>} : memref<216xi32, #tpu.memory_space<vmem>>, vector<16xi32>,
    %get3A_116 = vector.shape_cast %get3A_115 : vector<16xi32> to vector<16xi32>
    %shift_right_logical3A_117 = arith.constant 1 : i32
    %shift_right_logical3A_118 = vector.broadcast %shift_right_logical3A_117 : i32 to vector<16xi32>
    %shift_right_logical3A_119 = arith.shrui %get3A_116, %shift_right_logical3A_118 : vector<16xi32>
    %swap3A_120 = arith.constant 176 : index
    %swap3A_121 = tpu.vector_load %arg8[%swap3A_120] {strides = array<i32>} : memref<200xi32, #tpu.memory_space<vmem>>, vector<16xi32>,
    %swap3A_122 = vector.shape_cast %swap3A_121 : vector<16xi32> to vector<16xi32>
    %swap3A_123 = vector.shape_cast %shift_right_logical3A_119 : vector<16xi32> to vector<16xi32>
    tpu.vector_store %arg8[%swap3A_120], %swap3A_123 {strides = array<i32>} : memref<200xi32, #tpu.memory_space<vmem>>, vector<16xi32>,
    %get3A_124 = arith.constant 184 : index
    %get3A_125 = tpu.vector_load %arg6[%get3A_124] {strides = array<i32>} : memref<216xi32, #tpu.memory_space<vmem>>, vector<16xi32>,
    %get3A_126 = vector.shape_cast %get3A_125 : vector<16xi32> to vector<16xi32>
    %shift_right_logical3A_127 = arith.constant 1 : i32
    %shift_right_logical3A_128 = vector.broadcast %shift_right_logical3A_127 : i32 to vector<16xi32>
    %shift_right_logical3A_129 = arith.shrui %get3A_126, %shift_right_logical3A_128 : vector<16xi32>
    %swap3A_130 = arith.constant 184 : index
    %swap3A_131 = tpu.vector_load %arg8[%swap3A_130] {strides = array<i32>} : memref<200xi32, #tpu.memory_space<vmem>>, vector<16xi32>,
    %swap3A_132 = vector.shape_cast %swap3A_131 : vector<16xi32> to vector<16xi32>
    %swap3A_133 = vector.shape_cast %shift_right_logical3A_129 : vector<16xi32> to vector<16xi32>
    tpu.vector_store %arg8[%swap3A_130], %swap3A_133 {strides = array<i32>} : memref<200xi32, #tpu.memory_space<vmem>>, vector<16xi32>,
    %dma_start3A = arith.constant 0 : i32
    %dma_start3A_134 = arith.constant 0 : i32
    %dma_start3A_135 = tpu.memref_slice %arg11[%dma_start3A, %dma_start3A_134] : memref<200x128xf32, #tpu.memory_space<vmem>> -> memref<104x128xf32, #tpu.memory_space<vmem>>
    %dma_start3A_136 = arith.constant 0 : i32
    %dma_start3A_137 = tpu.memref_slice %arg8[%dma_start3A_136] : memref<200xi32, #tpu.memory_space<vmem>> -> memref<104xi32, #tpu.memory_space<vmem>>
    %dma_start3A_138 = arith.constant 0 : i32
    %dma_start3A_139 = arith.constant 0 : i32
    %dma_start3A_140 = tpu.memref_slice %arg3[%dma_start3A_138, %dma_start3A_139] : memref<500000x128xf32, #tpu.memory_space<hbm>> -> memref<500000x128xf32, #tpu.memory_space<hbm>>
    tpu.enqueue_indirect_dma source(%dma_start3A_140 : memref<500000x128xf32, #tpu.memory_space<hbm>>) target(%dma_start3A_135 : memref<104x128xf32, #tpu.memory_space<vmem>>) offsets(%dma_start3A_137 : memref<104xi32, #tpu.memory_space<vmem>>) semaphore(%arg15 : memref<!tpu.dma_semaphore, #tpu.memory_space<semaphore_mem>>)
    %dma_start3A_141 = arith.constant 104 : i32
    %dma_start3A_142 = arith.constant 0 : i32
    %dma_start3A_143 = tpu.memref_slice %arg11[%dma_start3A_141, %dma_start3A_142] : memref<200x128xf32, #tpu.memory_space<vmem>> -> memref<96x128xf32, #tpu.memory_space<vmem>>
    %dma_start3A_144 = arith.constant 104 : i32
    %dma_start3A_145 = tpu.memref_slice %arg8[%dma_start3A_144] : memref<200xi32, #tpu.memory_space<vmem>> -> memref<96xi32, #tpu.memory_space<vmem>>
    %dma_start3A_146 = arith.constant 0 : i32
    %dma_start3A_147 = arith.constant 0 : i32
    %dma_start3A_148 = tpu.memref_slice %arg3[%dma_start3A_146, %dma_start3A_147] : memref<500000x128xf32, #tpu.memory_space<hbm>> -> memref<500000x128xf32, #tpu.memory_space<hbm>>
    tpu.enqueue_indirect_dma source(%dma_start3A_148 : memref<500000x128xf32, #tpu.memory_space<hbm>>) target(%dma_start3A_143 : memref<96x128xf32, #tpu.memory_space<vmem>>) offsets(%dma_start3A_145 : memref<96xi32, #tpu.memory_space<vmem>>) semaphore(%arg15 : memref<!tpu.dma_semaphore, #tpu.memory_space<semaphore_mem>>)
    %scan3A = arith.constant 0 : i32
    %scan3A_149 = arith.constant 0 : i32
    %scan3A_150 = arith.constant 64 : i32
    %scan3A_151 = arith.addi %scan3A_149, %scan3A_150 : i32
    %scan3A_152 = arith.constant 1 : i32
    scf.for %scan3A_171 = %scan3A_149 to %scan3A_151 step %scan3A_152  : i32 {
      %mul3A_172 = arith.constant 2 : i32
      %mul3A_173 = arith.muli %scan3A_171, %mul3A_172 : i32
      %add3A_174 = arith.constant 0 : i32
      %add3A_175 = arith.addi %mul3A_173, %add3A_174 : i32
      %add3A_176 = arith.constant 1 : i32
      %add3A_177 = arith.addi %add3A_175, %add3A_176 : i32
      %lt3A = arith.constant 128 : i32
      %lt3A_178 = arith.cmpi slt, %add3A_177, %lt3A : i32
      %convert_element_type3A = arith.extui %lt3A_178 : i1 to i32
      %cond3A = arith.constant 0 : i32
      %cond3A_179 = arith.cmpi ne, %convert_element_type3A, %cond3A : i32
      scf.if %cond3A_179 {
        %add3A_255 = arith.constant 1 : i32
        %add3A_256 = arith.addi %add3A_175, %add3A_255 : i32
        %add3A_257 = arith.addi %mul3A_2, %add3A_256 : i32
        %mul3A_258 = arith.constant 200 : i32
        %mul3A_259 = arith.muli %add3A_257, %mul3A_258 : i32
        "tpu.region"() ({
          %run_scoped3A = tpu.sem_alloc : memref<!tpu.dma_semaphore, #tpu.memory_space<semaphore_mem>>
          %dma_start3A_406 = arith.constant 0 : i32
          %dma_start3A_407 = tpu.memref_slice %arg7[%dma_start3A_406] : memref<216xi32, #tpu.memory_space<vmem>> -> memref<200xi32, #tpu.memory_space<vmem>>
          %dma_start3A_408 = tpu.memref_slice %arg2[%mul3A_259] : memref<819200xi32, #tpu.memory_space<hbm>> -> memref<200xi32, #tpu.memory_space<hbm>>
          %dma_start3A_409 = arith.constant 0 : i32
          %dma_start3A_410 = tpu.memref_slice %arg7[%dma_start3A_409] : memref<216xi32, #tpu.memory_space<vmem>> -> memref<200xi32, #tpu.memory_space<vmem>>
          %dma_start3A_411 = tpu.memref_slice %arg2[%mul3A_259] : memref<819200xi32, #tpu.memory_space<hbm>> -> memref<200xi32, #tpu.memory_space<hbm>>
          tpu.enqueue_dma source(%dma_start3A_411 : memref<200xi32, #tpu.memory_space<hbm>>) target(%dma_start3A_410 : memref<200xi32, #tpu.memory_space<vmem>>) target_semaphore(%run_scoped3A : memref<!tpu.dma_semaphore, #tpu.memory_space<semaphore_mem>>)
          %dma_wait3A_412 = arith.constant 0 : i32
          %dma_wait3A_413 = tpu.memref_slice %arg7[%dma_wait3A_412] : memref<216xi32, #tpu.memory_space<vmem>> -> memref<200xi32, #tpu.memory_space<vmem>>
          %dma_wait3A_414 = tpu.memref_slice %arg2[%mul3A_259] : memref<819200xi32, #tpu.memory_space<hbm>> -> memref<200xi32, #tpu.memory_space<hbm>>
          %dma_wait3A_415 = arith.constant 0 : i32
          %dma_wait3A_416 = tpu.memref_slice %arg7[%dma_wait3A_415] : memref<216xi32, #tpu.memory_space<vmem>> -> memref<200xi32, #tpu.memory_space<vmem>>
          %dma_wait3A_417 = tpu.memref_slice %arg2[%mul3A_259] : memref<819200xi32, #tpu.memory_space<hbm>> -> memref<200xi32, #tpu.memory_space<hbm>>
          tpu.wait_dma2 semaphore(%run_scoped3A : memref<!tpu.dma_semaphore, #tpu.memory_space<semaphore_mem>>) src(%dma_wait3A_417 : memref<200xi32, #tpu.memory_space<hbm>>) dst(%dma_wait3A_416 : memref<200xi32, #tpu.memory_space<vmem>>)
          tpu.yield
        }) : () -> ()
        %get3A_260 = arith.constant 0 : index
        %get3A_261 = tpu.vector_load %arg7[%get3A_260] {strides = array<i32>} : memref<216xi32, #tpu.memory_space<vmem>>, vector<16xi32>,
        %get3A_262 = vector.shape_cast %get3A_261 : vector<16xi32> to vector<16xi32>
        %shift_right_logical3A_263 = arith.constant 1 : i32
        %shift_right_logical3A_264 = vector.broadcast %shift_right_logical3A_263 : i32 to vector<16xi32>
        %shift_right_logical3A_265 = arith.shrui %get3A_262, %shift_right_logical3A_264 : vector<16xi32>
        %swap3A_266 = arith.constant 0 : index
        %swap3A_267 = tpu.vector_load %arg9[%swap3A_266] {strides = array<i32>} : memref<200xi32, #tpu.memory_space<vmem>>, vector<16xi32>,
        %swap3A_268 = vector.shape_cast %swap3A_267 : vector<16xi32> to vector<16xi32>
        %swap3A_269 = vector.shape_cast %shift_right_logical3A_265 : vector<16xi32> to vector<16xi32>
        tpu.vector_store %arg9[%swap3A_266], %swap3A_269 {strides = array<i32>} : memref<200xi32, #tpu.memory_space<vmem>>, vector<16xi32>,
        %get3A_270 = arith.constant 16 : index
        %get3A_271 = tpu.vector_load %arg7[%get3A_270] {strides = array<i32>} : memref<216xi32, #tpu.memory_space<vmem>>, vector<16xi32>,
        %get3A_272 = vector.shape_cast %get3A_271 : vector<16xi32> to vector<16xi32>
        %shift_right_logical3A_273 = arith.constant 1 : i32
        %shift_right_logical3A_274 = vector.broadcast %shift_right_logical3A_273 : i32 to vector<16xi32>
        %shift_right_logical3A_275 = arith.shrui %get3A_272, %shift_right_logical3A_274 : vector<16xi32>
        %swap3A_276 = arith.constant 16 : index
        %swap3A_277 = tpu.vector_load %arg9[%swap3A_276] {strides = array<i32>} : memref<200xi32, #tpu.memory_space<vmem>>, vector<16xi32>,
        %swap3A_278 = vector.shape_cast %swap3A_277 : vector<16xi32> to vector<16xi32>
        %swap3A_279 = vector.shape_cast %shift_right_logical3A_275 : vector<16xi32> to vector<16xi32>
        tpu.vector_store %arg9[%swap3A_276], %swap3A_279 {strides = array<i32>} : memref<200xi32, #tpu.memory_space<vmem>>, vector<16xi32>,
        %get3A_280 = arith.constant 32 : index
        %get3A_281 = tpu.vector_load %arg7[%get3A_280] {strides = array<i32>} : memref<216xi32, #tpu.memory_space<vmem>>, vector<16xi32>,
        %get3A_282 = vector.shape_cast %get3A_281 : vector<16xi32> to vector<16xi32>
        %shift_right_logical3A_283 = arith.constant 1 : i32
        %shift_right_logical3A_284 = vector.broadcast %shift_right_logical3A_283 : i32 to vector<16xi32>
        %shift_right_logical3A_285 = arith.shrui %get3A_282, %shift_right_logical3A_284 : vector<16xi32>
        %swap3A_286 = arith.constant 32 : index
        %swap3A_287 = tpu.vector_load %arg9[%swap3A_286] {strides = array<i32>} : memref<200xi32, #tpu.memory_space<vmem>>, vector<16xi32>,
        %swap3A_288 = vector.shape_cast %swap3A_287 : vector<16xi32> to vector<16xi32>
        %swap3A_289 = vector.shape_cast %shift_right_logical3A_285 : vector<16xi32> to vector<16xi32>
        tpu.vector_store %arg9[%swap3A_286], %swap3A_289 {strides = array<i32>} : memref<200xi32, #tpu.memory_space<vmem>>, vector<16xi32>,
        %get3A_290 = arith.constant 48 : index
        %get3A_291 = tpu.vector_load %arg7[%get3A_290] {strides = array<i32>} : memref<216xi32, #tpu.memory_space<vmem>>, vector<16xi32>,
        %get3A_292 = vector.shape_cast %get3A_291 : vector<16xi32> to vector<16xi32>
        %shift_right_logical3A_293 = arith.constant 1 : i32
        %shift_right_logical3A_294 = vector.broadcast %shift_right_logical3A_293 : i32 to vector<16xi32>
        %shift_right_logical3A_295 = arith.shrui %get3A_292, %shift_right_logical3A_294 : vector<16xi32>
        %swap3A_296 = arith.constant 48 : index
        %swap3A_297 = tpu.vector_load %arg9[%swap3A_296] {strides = array<i32>} : memref<200xi32, #tpu.memory_space<vmem>>, vector<16xi32>,
        %swap3A_298 = vector.shape_cast %swap3A_297 : vector<16xi32> to vector<16xi32>
        %swap3A_299 = vector.shape_cast %shift_right_logical3A_295 : vector<16xi32> to vector<16xi32>
        tpu.vector_store %arg9[%swap3A_296], %swap3A_299 {strides = array<i32>} : memref<200xi32, #tpu.memory_space<vmem>>, vector<16xi32>,
        %get3A_300 = arith.constant 64 : index
        %get3A_301 = tpu.vector_load %arg7[%get3A_300] {strides = array<i32>} : memref<216xi32, #tpu.memory_space<vmem>>, vector<16xi32>,
        %get3A_302 = vector.shape_cast %get3A_301 : vector<16xi32> to vector<16xi32>
        %shift_right_logical3A_303 = arith.constant 1 : i32
        %shift_right_logical3A_304 = vector.broadcast %shift_right_logical3A_303 : i32 to vector<16xi32>
        %shift_right_logical3A_305 = arith.shrui %get3A_302, %shift_right_logical3A_304 : vector<16xi32>
        %swap3A_306 = arith.constant 64 : index
        %swap3A_307 = tpu.vector_load %arg9[%swap3A_306] {strides = array<i32>} : memref<200xi32, #tpu.memory_space<vmem>>, vector<16xi32>,
        %swap3A_308 = vector.shape_cast %swap3A_307 : vector<16xi32> to vector<16xi32>
        %swap3A_309 = vector.shape_cast %shift_right_logical3A_305 : vector<16xi32> to vector<16xi32>
        tpu.vector_store %arg9[%swap3A_306], %swap3A_309 {strides = array<i32>} : memref<200xi32, #tpu.memory_space<vmem>>, vector<16xi32>,
        %get3A_310 = arith.constant 80 : index
        %get3A_311 = tpu.vector_load %arg7[%get3A_310] {strides = array<i32>} : memref<216xi32, #tpu.memory_space<vmem>>, vector<16xi32>,
        %get3A_312 = vector.shape_cast %get3A_311 : vector<16xi32> to vector<16xi32>
        %shift_right_logical3A_313 = arith.constant 1 : i32
        %shift_right_logical3A_314 = vector.broadcast %shift_right_logical3A_313 : i32 to vector<16xi32>
        %shift_right_logical3A_315 = arith.shrui %get3A_312, %shift_right_logical3A_314 : vector<16xi32>
        %swap3A_316 = arith.constant 80 : index
        %swap3A_317 = tpu.vector_load %arg9[%swap3A_316] {strides = array<i32>} : memref<200xi32, #tpu.memory_space<vmem>>, vector<16xi32>,
        %swap3A_318 = vector.shape_cast %swap3A_317 : vector<16xi32> to vector<16xi32>
        %swap3A_319 = vector.shape_cast %shift_right_logical3A_315 : vector<16xi32> to vector<16xi32>
        tpu.vector_store %arg9[%swap3A_316], %swap3A_319 {strides = array<i32>} : memref<200xi32, #tpu.memory_space<vmem>>, vector<16xi32>,
        %get3A_320 = arith.constant 96 : index
        %get3A_321 = tpu.vector_load %arg7[%get3A_320] {strides = array<i32>} : memref<216xi32, #tpu.memory_space<vmem>>, vector<16xi32>,
        %get3A_322 = vector.shape_cast %get3A_321 : vector<16xi32> to vector<16xi32>
        %shift_right_logical3A_323 = arith.constant 1 : i32
        %shift_right_logical3A_324 = vector.broadcast %shift_right_logical3A_323 : i32 to vector<16xi32>
        %shift_right_logical3A_325 = arith.shrui %get3A_322, %shift_right_logical3A_324 : vector<16xi32>
        %swap3A_326 = arith.constant 96 : index
        %swap3A_327 = tpu.vector_load %arg9[%swap3A_326] {strides = array<i32>} : memref<200xi32, #tpu.memory_space<vmem>>, vector<16xi32>,
        %swap3A_328 = vector.shape_cast %swap3A_327 : vector<16xi32> to vector<16xi32>
        %swap3A_329 = vector.shape_cast %shift_right_logical3A_325 : vector<16xi32> to vector<16xi32>
        tpu.vector_store %arg9[%swap3A_326], %swap3A_329 {strides = array<i32>} : memref<200xi32, #tpu.memory_space<vmem>>, vector<16xi32>,
        %get3A_330 = arith.constant 112 : index
        %get3A_331 = tpu.vector_load %arg7[%get3A_330] {strides = array<i32>} : memref<216xi32, #tpu.memory_space<vmem>>, vector<16xi32>,
        %get3A_332 = vector.shape_cast %get3A_331 : vector<16xi32> to vector<16xi32>
        %shift_right_logical3A_333 = arith.constant 1 : i32
        %shift_right_logical3A_334 = vector.broadcast %shift_right_logical3A_333 : i32 to vector<16xi32>
        %shift_right_logical3A_335 = arith.shrui %get3A_332, %shift_right_logical3A_334 : vector<16xi32>
        %swap3A_336 = arith.constant 112 : index
        %swap3A_337 = tpu.vector_load %arg9[%swap3A_336] {strides = array<i32>} : memref<200xi32, #tpu.memory_space<vmem>>, vector<16xi32>,
        %swap3A_338 = vector.shape_cast %swap3A_337 : vector<16xi32> to vector<16xi32>
        %swap3A_339 = vector.shape_cast %shift_right_logical3A_335 : vector<16xi32> to vector<16xi32>
        tpu.vector_store %arg9[%swap3A_336], %swap3A_339 {strides = array<i32>} : memref<200xi32, #tpu.memory_space<vmem>>, vector<16xi32>,
        %get3A_340 = arith.constant 128 : index
        %get3A_341 = tpu.vector_load %arg7[%get3A_340] {strides = array<i32>} : memref<216xi32, #tpu.memory_space<vmem>>, vector<16xi32>,
        %get3A_342 = vector.shape_cast %get3A_341 : vector<16xi32> to vector<16xi32>
        %shift_right_logical3A_343 = arith.constant 1 : i32
        %shift_right_logical3A_344 = vector.broadcast %shift_right_logical3A_343 : i32 to vector<16xi32>
        %shift_right_logical3A_345 = arith.shrui %get3A_342, %shift_right_logical3A_344 : vector<16xi32>
        %swap3A_346 = arith.constant 128 : index
        %swap3A_347 = tpu.vector_load %arg9[%swap3A_346] {strides = array<i32>} : memref<200xi32, #tpu.memory_space<vmem>>, vector<16xi32>,
        %swap3A_348 = vector.shape_cast %swap3A_347 : vector<16xi32> to vector<16xi32>
        %swap3A_349 = vector.shape_cast %shift_right_logical3A_345 : vector<16xi32> to vector<16xi32>
        tpu.vector_store %arg9[%swap3A_346], %swap3A_349 {strides = array<i32>} : memref<200xi32, #tpu.memory_space<vmem>>, vector<16xi32>,
        %get3A_350 = arith.constant 144 : index
        %get3A_351 = tpu.vector_load %arg7[%get3A_350] {strides = array<i32>} : memref<216xi32, #tpu.memory_space<vmem>>, vector<16xi32>,
        %get3A_352 = vector.shape_cast %get3A_351 : vector<16xi32> to vector<16xi32>
        %shift_right_logical3A_353 = arith.constant 1 : i32
        %shift_right_logical3A_354 = vector.broadcast %shift_right_logical3A_353 : i32 to vector<16xi32>
        %shift_right_logical3A_355 = arith.shrui %get3A_352, %shift_right_logical3A_354 : vector<16xi32>
        %swap3A_356 = arith.constant 144 : index
        %swap3A_357 = tpu.vector_load %arg9[%swap3A_356] {strides = array<i32>} : memref<200xi32, #tpu.memory_space<vmem>>, vector<16xi32>,
        %swap3A_358 = vector.shape_cast %swap3A_357 : vector<16xi32> to vector<16xi32>
        %swap3A_359 = vector.shape_cast %shift_right_logical3A_355 : vector<16xi32> to vector<16xi32>
        tpu.vector_store %arg9[%swap3A_356], %swap3A_359 {strides = array<i32>} : memref<200xi32, #tpu.memory_space<vmem>>, vector<16xi32>,
        %get3A_360 = arith.constant 160 : index
        %get3A_361 = tpu.vector_load %arg7[%get3A_360] {strides = array<i32>} : memref<216xi32, #tpu.memory_space<vmem>>, vector<16xi32>,
        %get3A_362 = vector.shape_cast %get3A_361 : vector<16xi32> to vector<16xi32>
        %shift_right_logical3A_363 = arith.constant 1 : i32
        %shift_right_logical3A_364 = vector.broadcast %shift_right_logical3A_363 : i32 to vector<16xi32>
        %shift_right_logical3A_365 = arith.shrui %get3A_362, %shift_right_logical3A_364 : vector<16xi32>
        %swap3A_366 = arith.constant 160 : index
        %swap3A_367 = tpu.vector_load %arg9[%swap3A_366] {strides = array<i32>} : memref<200xi32, #tpu.memory_space<vmem>>, vector<16xi32>,
        %swap3A_368 = vector.shape_cast %swap3A_367 : vector<16xi32> to vector<16xi32>
        %swap3A_369 = vector.shape_cast %shift_right_logical3A_365 : vector<16xi32> to vector<16xi32>
        tpu.vector_store %arg9[%swap3A_366], %swap3A_369 {strides = array<i32>} : memref<200xi32, #tpu.memory_space<vmem>>, vector<16xi32>,
        %get3A_370 = arith.constant 176 : index
        %get3A_371 = tpu.vector_load %arg7[%get3A_370] {strides = array<i32>} : memref<216xi32, #tpu.memory_space<vmem>>, vector<16xi32>,
        %get3A_372 = vector.shape_cast %get3A_371 : vector<16xi32> to vector<16xi32>
        %shift_right_logical3A_373 = arith.constant 1 : i32
        %shift_right_logical3A_374 = vector.broadcast %shift_right_logical3A_373 : i32 to vector<16xi32>
        %shift_right_logical3A_375 = arith.shrui %get3A_372, %shift_right_logical3A_374 : vector<16xi32>
        %swap3A_376 = arith.constant 176 : index
        %swap3A_377 = tpu.vector_load %arg9[%swap3A_376] {strides = array<i32>} : memref<200xi32, #tpu.memory_space<vmem>>, vector<16xi32>,
        %swap3A_378 = vector.shape_cast %swap3A_377 : vector<16xi32> to vector<16xi32>
        %swap3A_379 = vector.shape_cast %shift_right_logical3A_375 : vector<16xi32> to vector<16xi32>
        tpu.vector_store %arg9[%swap3A_376], %swap3A_379 {strides = array<i32>} : memref<200xi32, #tpu.memory_space<vmem>>, vector<16xi32>,
        %get3A_380 = arith.constant 184 : index
        %get3A_381 = tpu.vector_load %arg7[%get3A_380] {strides = array<i32>} : memref<216xi32, #tpu.memory_space<vmem>>, vector<16xi32>,
        %get3A_382 = vector.shape_cast %get3A_381 : vector<16xi32> to vector<16xi32>
        %shift_right_logical3A_383 = arith.constant 1 : i32
        %shift_right_logical3A_384 = vector.broadcast %shift_right_logical3A_383 : i32 to vector<16xi32>
        %shift_right_logical3A_385 = arith.shrui %get3A_382, %shift_right_logical3A_384 : vector<16xi32>
        %swap3A_386 = arith.constant 184 : index
        %swap3A_387 = tpu.vector_load %arg9[%swap3A_386] {strides = array<i32>} : memref<200xi32, #tpu.memory_space<vmem>>, vector<16xi32>,
        %swap3A_388 = vector.shape_cast %swap3A_387 : vector<16xi32> to vector<16xi32>
        %swap3A_389 = vector.shape_cast %shift_right_logical3A_385 : vector<16xi32> to vector<16xi32>
        tpu.vector_store %arg9[%swap3A_386], %swap3A_389 {strides = array<i32>} : memref<200xi32, #tpu.memory_space<vmem>>, vector<16xi32>,
        %dma_start3A_390 = arith.constant 0 : i32
        %dma_start3A_391 = arith.constant 0 : i32
        %dma_start3A_392 = tpu.memref_slice %arg12[%dma_start3A_390, %dma_start3A_391] : memref<200x128xf32, #tpu.memory_space<vmem>> -> memref<104x128xf32, #tpu.memory_space<vmem>>
        %dma_start3A_393 = arith.constant 0 : i32
        %dma_start3A_394 = tpu.memref_slice %arg9[%dma_start3A_393] : memref<200xi32, #tpu.memory_space<vmem>> -> memref<104xi32, #tpu.memory_space<vmem>>
        %dma_start3A_395 = arith.constant 0 : i32
        %dma_start3A_396 = arith.constant 0 : i32
        %dma_start3A_397 = tpu.memref_slice %arg3[%dma_start3A_395, %dma_start3A_396] : memref<500000x128xf32, #tpu.memory_space<hbm>> -> memref<500000x128xf32, #tpu.memory_space<hbm>>
        tpu.enqueue_indirect_dma source(%dma_start3A_397 : memref<500000x128xf32, #tpu.memory_space<hbm>>) target(%dma_start3A_392 : memref<104x128xf32, #tpu.memory_space<vmem>>) offsets(%dma_start3A_394 : memref<104xi32, #tpu.memory_space<vmem>>) semaphore(%arg16 : memref<!tpu.dma_semaphore, #tpu.memory_space<semaphore_mem>>)
        %dma_start3A_398 = arith.constant 104 : i32
        %dma_start3A_399 = arith.constant 0 : i32
        %dma_start3A_400 = tpu.memref_slice %arg12[%dma_start3A_398, %dma_start3A_399] : memref<200x128xf32, #tpu.memory_space<vmem>> -> memref<96x128xf32, #tpu.memory_space<vmem>>
        %dma_start3A_401 = arith.constant 104 : i32
        %dma_start3A_402 = tpu.memref_slice %arg9[%dma_start3A_401] : memref<200xi32, #tpu.memory_space<vmem>> -> memref<96xi32, #tpu.memory_space<vmem>>
        %dma_start3A_403 = arith.constant 0 : i32
        %dma_start3A_404 = arith.constant 0 : i32
        %dma_start3A_405 = tpu.memref_slice %arg3[%dma_start3A_403, %dma_start3A_404] : memref<500000x128xf32, #tpu.memory_space<hbm>> -> memref<500000x128xf32, #tpu.memory_space<hbm>>
        tpu.enqueue_indirect_dma source(%dma_start3A_405 : memref<500000x128xf32, #tpu.memory_space<hbm>>) target(%dma_start3A_400 : memref<96x128xf32, #tpu.memory_space<vmem>>) offsets(%dma_start3A_402 : memref<96xi32, #tpu.memory_space<vmem>>) semaphore(%arg16 : memref<!tpu.dma_semaphore, #tpu.memory_space<semaphore_mem>>)
      } else {
      }
      %dma_wait3A_180 = arith.constant 0 : i32
      %dma_wait3A_181 = arith.constant 0 : i32
      %dma_wait3A_182 = tpu.memref_slice %arg11[%dma_wait3A_180, %dma_wait3A_181] : memref<200x128xf32, #tpu.memory_space<vmem>> -> memref<104x128xf32, #tpu.memory_space<vmem>>
      %dma_wait3A_183 = arith.constant 0 : i32
      %dma_wait3A_184 = tpu.memref_slice %arg8[%dma_wait3A_183] : memref<200xi32, #tpu.memory_space<vmem>> -> memref<104xi32, #tpu.memory_space<vmem>>
      %dma_wait3A_185 = arith.constant 0 : i32
      %dma_wait3A_186 = arith.constant 0 : i32
      %dma_wait3A_187 = tpu.memref_slice %arg3[%dma_wait3A_185, %dma_wait3A_186] : memref<500000x128xf32, #tpu.memory_space<hbm>> -> memref<500000x128xf32, #tpu.memory_space<hbm>>
      tpu.wait_indirect_dma semaphore(%arg15 : memref<!tpu.dma_semaphore, #tpu.memory_space<semaphore_mem>>) src(%dma_wait3A_187 : memref<500000x128xf32, #tpu.memory_space<hbm>>) dst(%dma_wait3A_182 : memref<104x128xf32, #tpu.memory_space<vmem>>)
      %dma_wait3A_188 = arith.constant 104 : i32
      %dma_wait3A_189 = arith.constant 0 : i32
      %dma_wait3A_190 = tpu.memref_slice %arg11[%dma_wait3A_188, %dma_wait3A_189] : memref<200x128xf32, #tpu.memory_space<vmem>> -> memref<96x128xf32, #tpu.memory_space<vmem>>
      %dma_wait3A_191 = arith.constant 104 : i32
      %dma_wait3A_192 = tpu.memref_slice %arg8[%dma_wait3A_191] : memref<200xi32, #tpu.memory_space<vmem>> -> memref<96xi32, #tpu.memory_space<vmem>>
      %dma_wait3A_193 = arith.constant 0 : i32
      %dma_wait3A_194 = arith.constant 0 : i32
      %dma_wait3A_195 = tpu.memref_slice %arg3[%dma_wait3A_193, %dma_wait3A_194] : memref<500000x128xf32, #tpu.memory_space<hbm>> -> memref<500000x128xf32, #tpu.memory_space<hbm>>
      tpu.wait_indirect_dma semaphore(%arg15 : memref<!tpu.dma_semaphore, #tpu.memory_space<semaphore_mem>>) src(%dma_wait3A_195 : memref<500000x128xf32, #tpu.memory_space<hbm>>) dst(%dma_wait3A_190 : memref<96x128xf32, #tpu.memory_space<vmem>>)
      %ge3A = arith.constant 2 : i32
      %ge3A_196 = arith.cmpi sge, %add3A_175, %ge3A : i32
      %convert_element_type3A_197 = arith.extui %ge3A_196 : i1 to i32
      %cond3A_198 = arith.constant 0 : i32
      %cond3A_199 = arith.cmpi ne, %convert_element_type3A_197, %cond3A_198 : i32
      scf.if %cond3A_199 {
        %add3A_255 = arith.addi %mul3A_2, %add3A_175 : i32
        %dma_wait3A_256 = arith.constant 0 : i32
        %dma_wait3A_257 = arith.constant 0 : i32
        %dma_wait3A_258 = tpu.memref_slice %arg5[%add3A_255, %dma_wait3A_256, %dma_wait3A_257] : memref<4096x200x64xf32, #tpu.memory_space<hbm>> -> memref<1x200x64xf32, #tpu.memory_space<hbm>>
        %dma_wait3A_259 = tpu.memref_squeeze %dma_wait3A_258 : memref<1x200x64xf32, #tpu.memory_space<hbm>> -> memref<200x64xf32, #tpu.memory_space<hbm>>
        %dma_wait3A_260 = arith.constant 0 : i32
        %dma_wait3A_261 = arith.constant 0 : i32
        %dma_wait3A_262 = tpu.memref_slice %arg5[%add3A_255, %dma_wait3A_260, %dma_wait3A_261] : memref<4096x200x64xf32, #tpu.memory_space<hbm>> -> memref<1x200x64xf32, #tpu.memory_space<hbm>>
        %dma_wait3A_263 = tpu.memref_squeeze %dma_wait3A_262 : memref<1x200x64xf32, #tpu.memory_space<hbm>> -> memref<200x64xf32, #tpu.memory_space<hbm>>
        tpu.wait_dma2 semaphore(%arg17 : memref<!tpu.dma_semaphore, #tpu.memory_space<semaphore_mem>>) src(%arg13 : memref<200x64xf32, #tpu.memory_space<vmem>>) dst(%dma_wait3A_263 : memref<200x64xf32, #tpu.memory_space<hbm>>)
      } else {
      }
      %parallel_loop3A = arith.constant 0 : i32
      %parallel_loop3A_200 = arith.constant 200 : i32
      %parallel_loop3A_201 = arith.constant 1 : i32
      scf.for %parallel_loop3A_255 = %parallel_loop3A to %parallel_loop3A_200 step %parallel_loop3A_201  : i32 {
        %parallel_loop3A_256 = arith.index_cast %parallel_loop3A_255 : i32 to index
        %parallel_loop3A_257 = tpu.vector_load %arg6[%parallel_loop3A_256] {strides = array<i32>} : memref<216xi32, #tpu.memory_space<vmem>>, vector<16xi32>,
        %parallel_loop3A_258 = vector.shape_cast %parallel_loop3A_257 : vector<16xi32> to vector<16xi32>
        %parallel_loop3A_259 = vector.extract_strided_slice %parallel_loop3A_258 {offsets = [0], sizes = [1], strides = [1]} : vector<16xi32> to vector<1xi32>
        %parallel_loop3A_260 = vector.extract %parallel_loop3A_259[0] : i32 from vector<1xi32>
        %parallel_loop3A_261 = arith.constant 1 : i32
        %parallel_loop3A_262 = arith.andi %parallel_loop3A_260, %parallel_loop3A_261 : i32
        %parallel_loop3A_263 = arith.constant 6 : i32
        %parallel_loop3A_264 = arith.shli %parallel_loop3A_262, %parallel_loop3A_263 : i32
        %parallel_loop3A_265 = arith.index_cast %parallel_loop3A_255 : i32 to index
        %parallel_loop3A_266 = arith.constant 0 : index
        %parallel_loop3A_267 = tpu.vector_load %arg10[%parallel_loop3A_265, %parallel_loop3A_266] {strides = array<i32>} : memref<200x128xf32, #tpu.memory_space<vmem>>, vector<1x16xf32>,
        %parallel_loop3A_268 = vector.shape_cast %parallel_loop3A_267 : vector<1x16xf32> to vector<16xf32>
        %parallel_loop3A_269 = arith.index_cast %parallel_loop3A_255 : i32 to index
        %parallel_loop3A_270 = arith.constant 16 : index
        %parallel_loop3A_271 = tpu.vector_load %arg10[%parallel_loop3A_269, %parallel_loop3A_270] {strides = array<i32>} : memref<200x128xf32, #tpu.memory_space<vmem>>, vector<1x16xf32>,
        %parallel_loop3A_272 = vector.shape_cast %parallel_loop3A_271 : vector<1x16xf32> to vector<16xf32>
        %parallel_loop3A_273 = arith.index_cast %parallel_loop3A_255 : i32 to index
        %parallel_loop3A_274 = arith.constant 32 : index
        %parallel_loop3A_275 = tpu.vector_load %arg10[%parallel_loop3A_273, %parallel_loop3A_274] {strides = array<i32>} : memref<200x128xf32, #tpu.memory_space<vmem>>, vector<1x16xf32>,
        %parallel_loop3A_276 = vector.shape_cast %parallel_loop3A_275 : vector<1x16xf32> to vector<16xf32>
        %parallel_loop3A_277 = arith.index_cast %parallel_loop3A_255 : i32 to index
        %parallel_loop3A_278 = arith.constant 48 : index
        %parallel_loop3A_279 = tpu.vector_load %arg10[%parallel_loop3A_277, %parallel_loop3A_278] {strides = array<i32>} : memref<200x128xf32, #tpu.memory_space<vmem>>, vector<1x16xf32>,
        %parallel_loop3A_280 = vector.shape_cast %parallel_loop3A_279 : vector<1x16xf32> to vector<16xf32>
        %parallel_loop3A_281 = arith.index_cast %parallel_loop3A_255 : i32 to index
        %parallel_loop3A_282 = arith.constant 64 : index
        %parallel_loop3A_283 = tpu.vector_load %arg10[%parallel_loop3A_281, %parallel_loop3A_282] {strides = array<i32>} : memref<200x128xf32, #tpu.memory_space<vmem>>, vector<1x16xf32>,
        %parallel_loop3A_284 = vector.shape_cast %parallel_loop3A_283 : vector<1x16xf32> to vector<16xf32>
        %parallel_loop3A_285 = arith.index_cast %parallel_loop3A_255 : i32 to index
        %parallel_loop3A_286 = arith.constant 80 : index
        %parallel_loop3A_287 = tpu.vector_load %arg10[%parallel_loop3A_285, %parallel_loop3A_286] {strides = array<i32>} : memref<200x128xf32, #tpu.memory_space<vmem>>, vector<1x16xf32>,
        %parallel_loop3A_288 = vector.shape_cast %parallel_loop3A_287 : vector<1x16xf32> to vector<16xf32>
        %parallel_loop3A_289 = arith.index_cast %parallel_loop3A_255 : i32 to index
        %parallel_loop3A_290 = arith.index_cast %parallel_loop3A_264 : i32 to index
        %parallel_loop3A_291 = tpu.vector_load %arg11[%parallel_loop3A_289, %parallel_loop3A_290] {strides = array<i32>} : memref<200x128xf32, #tpu.memory_space<vmem>>, vector<1x16xf32>,
        %parallel_loop3A_292 = vector.shape_cast %parallel_loop3A_291 : vector<1x16xf32> to vector<16xf32>
        %parallel_loop3A_293 = arith.constant 16 : i32
        %parallel_loop3A_294 = arith.addi %parallel_loop3A_264, %parallel_loop3A_293 : i32
        %parallel_loop3A_295 = arith.index_cast %parallel_loop3A_255 : i32 to index
        %parallel_loop3A_296 = arith.index_cast %parallel_loop3A_294 : i32 to index
        %parallel_loop3A_297 = tpu.vector_load %arg11[%parallel_loop3A_295, %parallel_loop3A_296] {strides = array<i32>} : memref<200x128xf32, #tpu.memory_space<vmem>>, vector<1x16xf32>,
        %parallel_loop3A_298 = vector.shape_cast %parallel_loop3A_297 : vector<1x16xf32> to vector<16xf32>
        %parallel_loop3A_299 = arith.constant 32 : i32
        %parallel_loop3A_300 = arith.addi %parallel_loop3A_264, %parallel_loop3A_299 : i32
        %parallel_loop3A_301 = arith.index_cast %parallel_loop3A_255 : i32 to index
        %parallel_loop3A_302 = arith.index_cast %parallel_loop3A_300 : i32 to index
        %parallel_loop3A_303 = tpu.vector_load %arg11[%parallel_loop3A_301, %parallel_loop3A_302] {strides = array<i32>} : memref<200x128xf32, #tpu.memory_space<vmem>>, vector<1x16xf32>,
        %parallel_loop3A_304 = vector.shape_cast %parallel_loop3A_303 : vector<1x16xf32> to vector<16xf32>
        %parallel_loop3A_305 = arith.constant 48 : i32
        %parallel_loop3A_306 = arith.addi %parallel_loop3A_264, %parallel_loop3A_305 : i32
        %parallel_loop3A_307 = arith.index_cast %parallel_loop3A_255 : i32 to index
        %parallel_loop3A_308 = arith.index_cast %parallel_loop3A_306 : i32 to index
        %parallel_loop3A_309 = tpu.vector_load %arg11[%parallel_loop3A_307, %parallel_loop3A_308] {strides = array<i32>} : memref<200x128xf32, #tpu.memory_space<vmem>>, vector<1x16xf32>,
        %parallel_loop3A_310 = vector.shape_cast %parallel_loop3A_309 : vector<1x16xf32> to vector<16xf32>
        %parallel_loop3A_311 = arith.mulf %parallel_loop3A_292, %parallel_loop3A_268 : vector<16xf32>
        %parallel_loop3A_312 = arith.mulf %parallel_loop3A_304, %parallel_loop3A_284 : vector<16xf32>
        %parallel_loop3A_313 = arith.addf %parallel_loop3A_311, %parallel_loop3A_312 : vector<16xf32>
        %parallel_loop3A_314 = arith.index_cast %parallel_loop3A_255 : i32 to index
        %parallel_loop3A_315 = arith.constant 0 : index
        %parallel_loop3A_316 = tpu.vector_load %arg13[%parallel_loop3A_314, %parallel_loop3A_315] {strides = array<i32>} : memref<200x64xf32, #tpu.memory_space<vmem>>, vector<1x16xf32>,
        %parallel_loop3A_317 = vector.shape_cast %parallel_loop3A_316 : vector<1x16xf32> to vector<16xf32>
        %parallel_loop3A_318 = vector.shape_cast %parallel_loop3A_313 : vector<16xf32> to vector<1x16xf32>
        tpu.vector_store %arg13[%parallel_loop3A_314, %parallel_loop3A_315], %parallel_loop3A_318 {strides = array<i32>} : memref<200x64xf32, #tpu.memory_space<vmem>>, vector<1x16xf32>,
        %parallel_loop3A_319 = arith.mulf %parallel_loop3A_298, %parallel_loop3A_272 : vector<16xf32>
        %parallel_loop3A_320 = arith.mulf %parallel_loop3A_310, %parallel_loop3A_288 : vector<16xf32>
        %parallel_loop3A_321 = arith.addf %parallel_loop3A_319, %parallel_loop3A_320 : vector<16xf32>
        %parallel_loop3A_322 = arith.index_cast %parallel_loop3A_255 : i32 to index
        %parallel_loop3A_323 = arith.constant 16 : index
        %parallel_loop3A_324 = tpu.vector_load %arg13[%parallel_loop3A_322, %parallel_loop3A_323] {strides = array<i32>} : memref<200x64xf32, #tpu.memory_space<vmem>>, vector<1x16xf32>,
        %parallel_loop3A_325 = vector.shape_cast %parallel_loop3A_324 : vector<1x16xf32> to vector<16xf32>
        %parallel_loop3A_326 = vector.shape_cast %parallel_loop3A_321 : vector<16xf32> to vector<1x16xf32>
        tpu.vector_store %arg13[%parallel_loop3A_322, %parallel_loop3A_323], %parallel_loop3A_326 {strides = array<i32>} : memref<200x64xf32, #tpu.memory_space<vmem>>, vector<1x16xf32>,
        %parallel_loop3A_327 = arith.mulf %parallel_loop3A_304, %parallel_loop3A_268 : vector<16xf32>
        %parallel_loop3A_328 = arith.mulf %parallel_loop3A_292, %parallel_loop3A_276 : vector<16xf32>
        %parallel_loop3A_329 = arith.addf %parallel_loop3A_327, %parallel_loop3A_328 : vector<16xf32>
        %parallel_loop3A_330 = arith.index_cast %parallel_loop3A_255 : i32 to index
        %parallel_loop3A_331 = arith.constant 32 : index
        %parallel_loop3A_332 = tpu.vector_load %arg13[%parallel_loop3A_330, %parallel_loop3A_331] {strides = array<i32>} : memref<200x64xf32, #tpu.memory_space<vmem>>, vector<1x16xf32>,
        %parallel_loop3A_333 = vector.shape_cast %parallel_loop3A_332 : vector<1x16xf32> to vector<16xf32>
        %parallel_loop3A_334 = vector.shape_cast %parallel_loop3A_329 : vector<16xf32> to vector<1x16xf32>
        tpu.vector_store %arg13[%parallel_loop3A_330, %parallel_loop3A_331], %parallel_loop3A_334 {strides = array<i32>} : memref<200x64xf32, #tpu.memory_space<vmem>>, vector<1x16xf32>,
        %parallel_loop3A_335 = arith.mulf %parallel_loop3A_310, %parallel_loop3A_272 : vector<16xf32>
        %parallel_loop3A_336 = arith.mulf %parallel_loop3A_298, %parallel_loop3A_280 : vector<16xf32>
        %parallel_loop3A_337 = arith.addf %parallel_loop3A_335, %parallel_loop3A_336 : vector<16xf32>
        %parallel_loop3A_338 = arith.index_cast %parallel_loop3A_255 : i32 to index
        %parallel_loop3A_339 = arith.constant 48 : index
        %parallel_loop3A_340 = tpu.vector_load %arg13[%parallel_loop3A_338, %parallel_loop3A_339] {strides = array<i32>} : memref<200x64xf32, #tpu.memory_space<vmem>>, vector<1x16xf32>,
        %parallel_loop3A_341 = vector.shape_cast %parallel_loop3A_340 : vector<1x16xf32> to vector<16xf32>
        %parallel_loop3A_342 = vector.shape_cast %parallel_loop3A_337 : vector<16xf32> to vector<1x16xf32>
        tpu.vector_store %arg13[%parallel_loop3A_338, %parallel_loop3A_339], %parallel_loop3A_342 {strides = array<i32>} : memref<200x64xf32, #tpu.memory_space<vmem>>, vector<1x16xf32>,
      } {sc.loop_unroll_factor = 8 : i64, sc.parallel_access}
      %add3A_202 = arith.addi %mul3A_2, %add3A_175 : i32
      %dma_start3A_203 = arith.constant 0 : i32
      %dma_start3A_204 = arith.constant 0 : i32
      %dma_start3A_205 = tpu.memref_slice %arg5[%add3A_202, %dma_start3A_203, %dma_start3A_204] : memref<4096x200x64xf32, #tpu.memory_space<hbm>> -> memref<1x200x64xf32, #tpu.memory_space<hbm>>
      %dma_start3A_206 = tpu.memref_squeeze %dma_start3A_205 : memref<1x200x64xf32, #tpu.memory_space<hbm>> -> memref<200x64xf32, #tpu.memory_space<hbm>>
      %dma_start3A_207 = arith.constant 0 : i32
      %dma_start3A_208 = arith.constant 0 : i32
      %dma_start3A_209 = tpu.memref_slice %arg5[%add3A_202, %dma_start3A_207, %dma_start3A_208] : memref<4096x200x64xf32, #tpu.memory_space<hbm>> -> memref<1x200x64xf32, #tpu.memory_space<hbm>>
      %dma_start3A_210 = tpu.memref_squeeze %dma_start3A_209 : memref<1x200x64xf32, #tpu.memory_space<hbm>> -> memref<200x64xf32, #tpu.memory_space<hbm>>
      tpu.enqueue_dma source(%arg13 : memref<200x64xf32, #tpu.memory_space<vmem>>) target(%dma_start3A_210 : memref<200x64xf32, #tpu.memory_space<hbm>>) target_semaphore(%arg17 : memref<!tpu.dma_semaphore, #tpu.memory_space<semaphore_mem>>)
      %mul3A_211 = arith.constant 2 : i32
      %mul3A_212 = arith.muli %scan3A_171, %mul3A_211 : i32
      %add3A_213 = arith.constant 1 : i32
      %add3A_214 = arith.addi %mul3A_212, %add3A_213 : i32
      %add3A_215 = arith.constant 1 : i32
      %add3A_216 = arith.addi %add3A_214, %add3A_215 : i32
      %lt3A_217 = arith.constant 128 : i32
      %lt3A_218 = arith.cmpi slt, %add3A_216, %lt3A_217 : i32
      %convert_element_type3A_219 = arith.extui %lt3A_218 : i1 to i32
      %cond3A_220 = arith.constant 0 : i32
      %cond3A_221 = arith.cmpi ne, %convert_element_type3A_219, %cond3A_220 : i32
      scf.if %cond3A_221 {
        %add3A_255 = arith.constant 1 : i32
        %add3A_256 = arith.addi %add3A_214, %add3A_255 : i32
        %add3A_257 = arith.addi %mul3A_2, %add3A_256 : i32
        %mul3A_258 = arith.constant 200 : i32
        %mul3A_259 = arith.muli %add3A_257, %mul3A_258 : i32
        "tpu.region"() ({
          %run_scoped3A = tpu.sem_alloc : memref<!tpu.dma_semaphore, #tpu.memory_space<semaphore_mem>>
          %dma_start3A_406 = arith.constant 0 : i32
          %dma_start3A_407 = tpu.memref_slice %arg6[%dma_start3A_406] : memref<216xi32, #tpu.memory_space<vmem>> -> memref<200xi32, #tpu.memory_space<vmem>>
          %dma_start3A_408 = tpu.memref_slice %arg2[%mul3A_259] : memref<819200xi32, #tpu.memory_space<hbm>> -> memref<200xi32, #tpu.memory_space<hbm>>
          %dma_start3A_409 = arith.constant 0 : i32
          %dma_start3A_410 = tpu.memref_slice %arg6[%dma_start3A_409] : memref<216xi32, #tpu.memory_space<vmem>> -> memref<200xi32, #tpu.memory_space<vmem>>
          %dma_start3A_411 = tpu.memref_slice %arg2[%mul3A_259] : memref<819200xi32, #tpu.memory_space<hbm>> -> memref<200xi32, #tpu.memory_space<hbm>>
          tpu.enqueue_dma source(%dma_start3A_411 : memref<200xi32, #tpu.memory_space<hbm>>) target(%dma_start3A_410 : memref<200xi32, #tpu.memory_space<vmem>>) target_semaphore(%run_scoped3A : memref<!tpu.dma_semaphore, #tpu.memory_space<semaphore_mem>>)
          %dma_wait3A_412 = arith.constant 0 : i32
          %dma_wait3A_413 = tpu.memref_slice %arg6[%dma_wait3A_412] : memref<216xi32, #tpu.memory_space<vmem>> -> memref<200xi32, #tpu.memory_space<vmem>>
          %dma_wait3A_414 = tpu.memref_slice %arg2[%mul3A_259] : memref<819200xi32, #tpu.memory_space<hbm>> -> memref<200xi32, #tpu.memory_space<hbm>>
          %dma_wait3A_415 = arith.constant 0 : i32
          %dma_wait3A_416 = tpu.memref_slice %arg6[%dma_wait3A_415] : memref<216xi32, #tpu.memory_space<vmem>> -> memref<200xi32, #tpu.memory_space<vmem>>
          %dma_wait3A_417 = tpu.memref_slice %arg2[%mul3A_259] : memref<819200xi32, #tpu.memory_space<hbm>> -> memref<200xi32, #tpu.memory_space<hbm>>
          tpu.wait_dma2 semaphore(%run_scoped3A : memref<!tpu.dma_semaphore, #tpu.memory_space<semaphore_mem>>) src(%dma_wait3A_417 : memref<200xi32, #tpu.memory_space<hbm>>) dst(%dma_wait3A_416 : memref<200xi32, #tpu.memory_space<vmem>>)
          tpu.yield
        }) : () -> ()
        %get3A_260 = arith.constant 0 : index
        %get3A_261 = tpu.vector_load %arg6[%get3A_260] {strides = array<i32>} : memref<216xi32, #tpu.memory_space<vmem>>, vector<16xi32>,
        %get3A_262 = vector.shape_cast %get3A_261 : vector<16xi32> to vector<16xi32>
        %shift_right_logical3A_263 = arith.constant 1 : i32
        %shift_right_logical3A_264 = vector.broadcast %shift_right_logical3A_263 : i32 to vector<16xi32>
        %shift_right_logical3A_265 = arith.shrui %get3A_262, %shift_right_logical3A_264 : vector<16xi32>
        %swap3A_266 = arith.constant 0 : index
        %swap3A_267 = tpu.vector_load %arg8[%swap3A_266] {strides = array<i32>} : memref<200xi32, #tpu.memory_space<vmem>>, vector<16xi32>,
        %swap3A_268 = vector.shape_cast %swap3A_267 : vector<16xi32> to vector<16xi32>
        %swap3A_269 = vector.shape_cast %shift_right_logical3A_265 : vector<16xi32> to vector<16xi32>
        tpu.vector_store %arg8[%swap3A_266], %swap3A_269 {strides = array<i32>} : memref<200xi32, #tpu.memory_space<vmem>>, vector<16xi32>,
        %get3A_270 = arith.constant 16 : index
        %get3A_271 = tpu.vector_load %arg6[%get3A_270] {strides = array<i32>} : memref<216xi32, #tpu.memory_space<vmem>>, vector<16xi32>,
        %get3A_272 = vector.shape_cast %get3A_271 : vector<16xi32> to vector<16xi32>
        %shift_right_logical3A_273 = arith.constant 1 : i32
        %shift_right_logical3A_274 = vector.broadcast %shift_right_logical3A_273 : i32 to vector<16xi32>
        %shift_right_logical3A_275 = arith.shrui %get3A_272, %shift_right_logical3A_274 : vector<16xi32>
        %swap3A_276 = arith.constant 16 : index
        %swap3A_277 = tpu.vector_load %arg8[%swap3A_276] {strides = array<i32>} : memref<200xi32, #tpu.memory_space<vmem>>, vector<16xi32>,
        %swap3A_278 = vector.shape_cast %swap3A_277 : vector<16xi32> to vector<16xi32>
        %swap3A_279 = vector.shape_cast %shift_right_logical3A_275 : vector<16xi32> to vector<16xi32>
        tpu.vector_store %arg8[%swap3A_276], %swap3A_279 {strides = array<i32>} : memref<200xi32, #tpu.memory_space<vmem>>, vector<16xi32>,
        %get3A_280 = arith.constant 32 : index
        %get3A_281 = tpu.vector_load %arg6[%get3A_280] {strides = array<i32>} : memref<216xi32, #tpu.memory_space<vmem>>, vector<16xi32>,
        %get3A_282 = vector.shape_cast %get3A_281 : vector<16xi32> to vector<16xi32>
        %shift_right_logical3A_283 = arith.constant 1 : i32
        %shift_right_logical3A_284 = vector.broadcast %shift_right_logical3A_283 : i32 to vector<16xi32>
        %shift_right_logical3A_285 = arith.shrui %get3A_282, %shift_right_logical3A_284 : vector<16xi32>
        %swap3A_286 = arith.constant 32 : index
        %swap3A_287 = tpu.vector_load %arg8[%swap3A_286] {strides = array<i32>} : memref<200xi32, #tpu.memory_space<vmem>>, vector<16xi32>,
        %swap3A_288 = vector.shape_cast %swap3A_287 : vector<16xi32> to vector<16xi32>
        %swap3A_289 = vector.shape_cast %shift_right_logical3A_285 : vector<16xi32> to vector<16xi32>
        tpu.vector_store %arg8[%swap3A_286], %swap3A_289 {strides = array<i32>} : memref<200xi32, #tpu.memory_space<vmem>>, vector<16xi32>,
        %get3A_290 = arith.constant 48 : index
        %get3A_291 = tpu.vector_load %arg6[%get3A_290] {strides = array<i32>} : memref<216xi32, #tpu.memory_space<vmem>>, vector<16xi32>,
        %get3A_292 = vector.shape_cast %get3A_291 : vector<16xi32> to vector<16xi32>
        %shift_right_logical3A_293 = arith.constant 1 : i32
        %shift_right_logical3A_294 = vector.broadcast %shift_right_logical3A_293 : i32 to vector<16xi32>
        %shift_right_logical3A_295 = arith.shrui %get3A_292, %shift_right_logical3A_294 : vector<16xi32>
        %swap3A_296 = arith.constant 48 : index
        %swap3A_297 = tpu.vector_load %arg8[%swap3A_296] {strides = array<i32>} : memref<200xi32, #tpu.memory_space<vmem>>, vector<16xi32>,
        %swap3A_298 = vector.shape_cast %swap3A_297 : vector<16xi32> to vector<16xi32>
        %swap3A_299 = vector.shape_cast %shift_right_logical3A_295 : vector<16xi32> to vector<16xi32>
        tpu.vector_store %arg8[%swap3A_296], %swap3A_299 {strides = array<i32>} : memref<200xi32, #tpu.memory_space<vmem>>, vector<16xi32>,
        %get3A_300 = arith.constant 64 : index
        %get3A_301 = tpu.vector_load %arg6[%get3A_300] {strides = array<i32>} : memref<216xi32, #tpu.memory_space<vmem>>, vector<16xi32>,
        %get3A_302 = vector.shape_cast %get3A_301 : vector<16xi32> to vector<16xi32>
        %shift_right_logical3A_303 = arith.constant 1 : i32
        %shift_right_logical3A_304 = vector.broadcast %shift_right_logical3A_303 : i32 to vector<16xi32>
        %shift_right_logical3A_305 = arith.shrui %get3A_302, %shift_right_logical3A_304 : vector<16xi32>
        %swap3A_306 = arith.constant 64 : index
        %swap3A_307 = tpu.vector_load %arg8[%swap3A_306] {strides = array<i32>} : memref<200xi32, #tpu.memory_space<vmem>>, vector<16xi32>,
        %swap3A_308 = vector.shape_cast %swap3A_307 : vector<16xi32> to vector<16xi32>
        %swap3A_309 = vector.shape_cast %shift_right_logical3A_305 : vector<16xi32> to vector<16xi32>
        tpu.vector_store %arg8[%swap3A_306], %swap3A_309 {strides = array<i32>} : memref<200xi32, #tpu.memory_space<vmem>>, vector<16xi32>,
        %get3A_310 = arith.constant 80 : index
        %get3A_311 = tpu.vector_load %arg6[%get3A_310] {strides = array<i32>} : memref<216xi32, #tpu.memory_space<vmem>>, vector<16xi32>,
        %get3A_312 = vector.shape_cast %get3A_311 : vector<16xi32> to vector<16xi32>
        %shift_right_logical3A_313 = arith.constant 1 : i32
        %shift_right_logical3A_314 = vector.broadcast %shift_right_logical3A_313 : i32 to vector<16xi32>
        %shift_right_logical3A_315 = arith.shrui %get3A_312, %shift_right_logical3A_314 : vector<16xi32>
        %swap3A_316 = arith.constant 80 : index
        %swap3A_317 = tpu.vector_load %arg8[%swap3A_316] {strides = array<i32>} : memref<200xi32, #tpu.memory_space<vmem>>, vector<16xi32>,
        %swap3A_318 = vector.shape_cast %swap3A_317 : vector<16xi32> to vector<16xi32>
        %swap3A_319 = vector.shape_cast %shift_right_logical3A_315 : vector<16xi32> to vector<16xi32>
        tpu.vector_store %arg8[%swap3A_316], %swap3A_319 {strides = array<i32>} : memref<200xi32, #tpu.memory_space<vmem>>, vector<16xi32>,
        %get3A_320 = arith.constant 96 : index
        %get3A_321 = tpu.vector_load %arg6[%get3A_320] {strides = array<i32>} : memref<216xi32, #tpu.memory_space<vmem>>, vector<16xi32>,
        %get3A_322 = vector.shape_cast %get3A_321 : vector<16xi32> to vector<16xi32>
        %shift_right_logical3A_323 = arith.constant 1 : i32
        %shift_right_logical3A_324 = vector.broadcast %shift_right_logical3A_323 : i32 to vector<16xi32>
        %shift_right_logical3A_325 = arith.shrui %get3A_322, %shift_right_logical3A_324 : vector<16xi32>
        %swap3A_326 = arith.constant 96 : index
        %swap3A_327 = tpu.vector_load %arg8[%swap3A_326] {strides = array<i32>} : memref<200xi32, #tpu.memory_space<vmem>>, vector<16xi32>,
        %swap3A_328 = vector.shape_cast %swap3A_327 : vector<16xi32> to vector<16xi32>
        %swap3A_329 = vector.shape_cast %shift_right_logical3A_325 : vector<16xi32> to vector<16xi32>
        tpu.vector_store %arg8[%swap3A_326], %swap3A_329 {strides = array<i32>} : memref<200xi32, #tpu.memory_space<vmem>>, vector<16xi32>,
        %get3A_330 = arith.constant 112 : index
        %get3A_331 = tpu.vector_load %arg6[%get3A_330] {strides = array<i32>} : memref<216xi32, #tpu.memory_space<vmem>>, vector<16xi32>,
        %get3A_332 = vector.shape_cast %get3A_331 : vector<16xi32> to vector<16xi32>
        %shift_right_logical3A_333 = arith.constant 1 : i32
        %shift_right_logical3A_334 = vector.broadcast %shift_right_logical3A_333 : i32 to vector<16xi32>
        %shift_right_logical3A_335 = arith.shrui %get3A_332, %shift_right_logical3A_334 : vector<16xi32>
        %swap3A_336 = arith.constant 112 : index
        %swap3A_337 = tpu.vector_load %arg8[%swap3A_336] {strides = array<i32>} : memref<200xi32, #tpu.memory_space<vmem>>, vector<16xi32>,
        %swap3A_338 = vector.shape_cast %swap3A_337 : vector<16xi32> to vector<16xi32>
        %swap3A_339 = vector.shape_cast %shift_right_logical3A_335 : vector<16xi32> to vector<16xi32>
        tpu.vector_store %arg8[%swap3A_336], %swap3A_339 {strides = array<i32>} : memref<200xi32, #tpu.memory_space<vmem>>, vector<16xi32>,
        %get3A_340 = arith.constant 128 : index
        %get3A_341 = tpu.vector_load %arg6[%get3A_340] {strides = array<i32>} : memref<216xi32, #tpu.memory_space<vmem>>, vector<16xi32>,
        %get3A_342 = vector.shape_cast %get3A_341 : vector<16xi32> to vector<16xi32>
        %shift_right_logical3A_343 = arith.constant 1 : i32
        %shift_right_logical3A_344 = vector.broadcast %shift_right_logical3A_343 : i32 to vector<16xi32>
        %shift_right_logical3A_345 = arith.shrui %get3A_342, %shift_right_logical3A_344 : vector<16xi32>
        %swap3A_346 = arith.constant 128 : index
        %swap3A_347 = tpu.vector_load %arg8[%swap3A_346] {strides = array<i32>} : memref<200xi32, #tpu.memory_space<vmem>>, vector<16xi32>,
        %swap3A_348 = vector.shape_cast %swap3A_347 : vector<16xi32> to vector<16xi32>
        %swap3A_349 = vector.shape_cast %shift_right_logical3A_345 : vector<16xi32> to vector<16xi32>
        tpu.vector_store %arg8[%swap3A_346], %swap3A_349 {strides = array<i32>} : memref<200xi32, #tpu.memory_space<vmem>>, vector<16xi32>,
        %get3A_350 = arith.constant 144 : index
        %get3A_351 = tpu.vector_load %arg6[%get3A_350] {strides = array<i32>} : memref<216xi32, #tpu.memory_space<vmem>>, vector<16xi32>,
        %get3A_352 = vector.shape_cast %get3A_351 : vector<16xi32> to vector<16xi32>
        %shift_right_logical3A_353 = arith.constant 1 : i32
        %shift_right_logical3A_354 = vector.broadcast %shift_right_logical3A_353 : i32 to vector<16xi32>
        %shift_right_logical3A_355 = arith.shrui %get3A_352, %shift_right_logical3A_354 : vector<16xi32>
        %swap3A_356 = arith.constant 144 : index
        %swap3A_357 = tpu.vector_load %arg8[%swap3A_356] {strides = array<i32>} : memref<200xi32, #tpu.memory_space<vmem>>, vector<16xi32>,
        %swap3A_358 = vector.shape_cast %swap3A_357 : vector<16xi32> to vector<16xi32>
        %swap3A_359 = vector.shape_cast %shift_right_logical3A_355 : vector<16xi32> to vector<16xi32>
        tpu.vector_store %arg8[%swap3A_356], %swap3A_359 {strides = array<i32>} : memref<200xi32, #tpu.memory_space<vmem>>, vector<16xi32>,
        %get3A_360 = arith.constant 160 : index
        %get3A_361 = tpu.vector_load %arg6[%get3A_360] {strides = array<i32>} : memref<216xi32, #tpu.memory_space<vmem>>, vector<16xi32>,
        %get3A_362 = vector.shape_cast %get3A_361 : vector<16xi32> to vector<16xi32>
        %shift_right_logical3A_363 = arith.constant 1 : i32
        %shift_right_logical3A_364 = vector.broadcast %shift_right_logical3A_363 : i32 to vector<16xi32>
        %shift_right_logical3A_365 = arith.shrui %get3A_362, %shift_right_logical3A_364 : vector<16xi32>
        %swap3A_366 = arith.constant 160 : index
        %swap3A_367 = tpu.vector_load %arg8[%swap3A_366] {strides = array<i32>} : memref<200xi32, #tpu.memory_space<vmem>>, vector<16xi32>,
        %swap3A_368 = vector.shape_cast %swap3A_367 : vector<16xi32> to vector<16xi32>
        %swap3A_369 = vector.shape_cast %shift_right_logical3A_365 : vector<16xi32> to vector<16xi32>
        tpu.vector_store %arg8[%swap3A_366], %swap3A_369 {strides = array<i32>} : memref<200xi32, #tpu.memory_space<vmem>>, vector<16xi32>,
        %get3A_370 = arith.constant 176 : index
        %get3A_371 = tpu.vector_load %arg6[%get3A_370] {strides = array<i32>} : memref<216xi32, #tpu.memory_space<vmem>>, vector<16xi32>,
        %get3A_372 = vector.shape_cast %get3A_371 : vector<16xi32> to vector<16xi32>
        %shift_right_logical3A_373 = arith.constant 1 : i32
        %shift_right_logical3A_374 = vector.broadcast %shift_right_logical3A_373 : i32 to vector<16xi32>
        %shift_right_logical3A_375 = arith.shrui %get3A_372, %shift_right_logical3A_374 : vector<16xi32>
        %swap3A_376 = arith.constant 176 : index
        %swap3A_377 = tpu.vector_load %arg8[%swap3A_376] {strides = array<i32>} : memref<200xi32, #tpu.memory_space<vmem>>, vector<16xi32>,
        %swap3A_378 = vector.shape_cast %swap3A_377 : vector<16xi32> to vector<16xi32>
        %swap3A_379 = vector.shape_cast %shift_right_logical3A_375 : vector<16xi32> to vector<16xi32>
        tpu.vector_store %arg8[%swap3A_376], %swap3A_379 {strides = array<i32>} : memref<200xi32, #tpu.memory_space<vmem>>, vector<16xi32>,
        %get3A_380 = arith.constant 184 : index
        %get3A_381 = tpu.vector_load %arg6[%get3A_380] {strides = array<i32>} : memref<216xi32, #tpu.memory_space<vmem>>, vector<16xi32>,
        %get3A_382 = vector.shape_cast %get3A_381 : vector<16xi32> to vector<16xi32>
        %shift_right_logical3A_383 = arith.constant 1 : i32
        %shift_right_logical3A_384 = vector.broadcast %shift_right_logical3A_383 : i32 to vector<16xi32>
        %shift_right_logical3A_385 = arith.shrui %get3A_382, %shift_right_logical3A_384 : vector<16xi32>
        %swap3A_386 = arith.constant 184 : index
        %swap3A_387 = tpu.vector_load %arg8[%swap3A_386] {strides = array<i32>} : memref<200xi32, #tpu.memory_space<vmem>>, vector<16xi32>,
        %swap3A_388 = vector.shape_cast %swap3A_387 : vector<16xi32> to vector<16xi32>
        %swap3A_389 = vector.shape_cast %shift_right_logical3A_385 : vector<16xi32> to vector<16xi32>
        tpu.vector_store %arg8[%swap3A_386], %swap3A_389 {strides = array<i32>} : memref<200xi32, #tpu.memory_space<vmem>>, vector<16xi32>,
        %dma_start3A_390 = arith.constant 0 : i32
        %dma_start3A_391 = arith.constant 0 : i32
        %dma_start3A_392 = tpu.memref_slice %arg11[%dma_start3A_390, %dma_start3A_391] : memref<200x128xf32, #tpu.memory_space<vmem>> -> memref<104x128xf32, #tpu.memory_space<vmem>>
        %dma_start3A_393 = arith.constant 0 : i32
        %dma_start3A_394 = tpu.memref_slice %arg8[%dma_start3A_393] : memref<200xi32, #tpu.memory_space<vmem>> -> memref<104xi32, #tpu.memory_space<vmem>>
        %dma_start3A_395 = arith.constant 0 : i32
        %dma_start3A_396 = arith.constant 0 : i32
        %dma_start3A_397 = tpu.memref_slice %arg3[%dma_start3A_395, %dma_start3A_396] : memref<500000x128xf32, #tpu.memory_space<hbm>> -> memref<500000x128xf32, #tpu.memory_space<hbm>>
        tpu.enqueue_indirect_dma source(%dma_start3A_397 : memref<500000x128xf32, #tpu.memory_space<hbm>>) target(%dma_start3A_392 : memref<104x128xf32, #tpu.memory_space<vmem>>) offsets(%dma_start3A_394 : memref<104xi32, #tpu.memory_space<vmem>>) semaphore(%arg15 : memref<!tpu.dma_semaphore, #tpu.memory_space<semaphore_mem>>)
        %dma_start3A_398 = arith.constant 104 : i32
        %dma_start3A_399 = arith.constant 0 : i32
        %dma_start3A_400 = tpu.memref_slice %arg11[%dma_start3A_398, %dma_start3A_399] : memref<200x128xf32, #tpu.memory_space<vmem>> -> memref<96x128xf32, #tpu.memory_space<vmem>>
        %dma_start3A_401 = arith.constant 104 : i32
        %dma_start3A_402 = tpu.memref_slice %arg8[%dma_start3A_401] : memref<200xi32, #tpu.memory_space<vmem>> -> memref<96xi32, #tpu.memory_space<vmem>>
        %dma_start3A_403 = arith.constant 0 : i32
        %dma_start3A_404 = arith.constant 0 : i32
        %dma_start3A_405 = tpu.memref_slice %arg3[%dma_start3A_403, %dma_start3A_404] : memref<500000x128xf32, #tpu.memory_space<hbm>> -> memref<500000x128xf32, #tpu.memory_space<hbm>>
        tpu.enqueue_indirect_dma source(%dma_start3A_405 : memref<500000x128xf32, #tpu.memory_space<hbm>>) target(%dma_start3A_400 : memref<96x128xf32, #tpu.memory_space<vmem>>) offsets(%dma_start3A_402 : memref<96xi32, #tpu.memory_space<vmem>>) semaphore(%arg15 : memref<!tpu.dma_semaphore, #tpu.memory_space<semaphore_mem>>)
      } else {
      }
      %dma_wait3A_222 = arith.constant 0 : i32
      %dma_wait3A_223 = arith.constant 0 : i32
      %dma_wait3A_224 = tpu.memref_slice %arg12[%dma_wait3A_222, %dma_wait3A_223] : memref<200x128xf32, #tpu.memory_space<vmem>> -> memref<104x128xf32, #tpu.memory_space<vmem>>
      %dma_wait3A_225 = arith.constant 0 : i32
      %dma_wait3A_226 = tpu.memref_slice %arg9[%dma_wait3A_225] : memref<200xi32, #tpu.memory_space<vmem>> -> memref<104xi32, #tpu.memory_space<vmem>>
      %dma_wait3A_227 = arith.constant 0 : i32
      %dma_wait3A_228 = arith.constant 0 : i32
      %dma_wait3A_229 = tpu.memref_slice %arg3[%dma_wait3A_227, %dma_wait3A_228] : memref<500000x128xf32, #tpu.memory_space<hbm>> -> memref<500000x128xf32, #tpu.memory_space<hbm>>
      tpu.wait_indirect_dma semaphore(%arg16 : memref<!tpu.dma_semaphore, #tpu.memory_space<semaphore_mem>>) src(%dma_wait3A_229 : memref<500000x128xf32, #tpu.memory_space<hbm>>) dst(%dma_wait3A_224 : memref<104x128xf32, #tpu.memory_space<vmem>>)
      %dma_wait3A_230 = arith.constant 104 : i32
      %dma_wait3A_231 = arith.constant 0 : i32
      %dma_wait3A_232 = tpu.memref_slice %arg12[%dma_wait3A_230, %dma_wait3A_231] : memref<200x128xf32, #tpu.memory_space<vmem>> -> memref<96x128xf32, #tpu.memory_space<vmem>>
      %dma_wait3A_233 = arith.constant 104 : i32
      %dma_wait3A_234 = tpu.memref_slice %arg9[%dma_wait3A_233] : memref<200xi32, #tpu.memory_space<vmem>> -> memref<96xi32, #tpu.memory_space<vmem>>
      %dma_wait3A_235 = arith.constant 0 : i32
      %dma_wait3A_236 = arith.constant 0 : i32
      %dma_wait3A_237 = tpu.memref_slice %arg3[%dma_wait3A_235, %dma_wait3A_236] : memref<500000x128xf32, #tpu.memory_space<hbm>> -> memref<500000x128xf32, #tpu.memory_space<hbm>>
      tpu.wait_indirect_dma semaphore(%arg16 : memref<!tpu.dma_semaphore, #tpu.memory_space<semaphore_mem>>) src(%dma_wait3A_237 : memref<500000x128xf32, #tpu.memory_space<hbm>>) dst(%dma_wait3A_232 : memref<96x128xf32, #tpu.memory_space<vmem>>)
      %ge3A_238 = arith.constant 2 : i32
      %ge3A_239 = arith.cmpi sge, %add3A_214, %ge3A_238 : i32
      %convert_element_type3A_240 = arith.extui %ge3A_239 : i1 to i32
      %cond3A_241 = arith.constant 0 : i32
      %cond3A_242 = arith.cmpi ne, %convert_element_type3A_240, %cond3A_241 : i32
      scf.if %cond3A_242 {
        %add3A_255 = arith.addi %mul3A_2, %add3A_214 : i32
        %dma_wait3A_256 = arith.constant 0 : i32
        %dma_wait3A_257 = arith.constant 0 : i32
        %dma_wait3A_258 = tpu.memref_slice %arg5[%add3A_255, %dma_wait3A_256, %dma_wait3A_257] : memref<4096x200x64xf32, #tpu.memory_space<hbm>> -> memref<1x200x64xf32, #tpu.memory_space<hbm>>
        %dma_wait3A_259 = tpu.memref_squeeze %dma_wait3A_258 : memref<1x200x64xf32, #tpu.memory_space<hbm>> -> memref<200x64xf32, #tpu.memory_space<hbm>>
        %dma_wait3A_260 = arith.constant 0 : i32
        %dma_wait3A_261 = arith.constant 0 : i32
        %dma_wait3A_262 = tpu.memref_slice %arg5[%add3A_255, %dma_wait3A_260, %dma_wait3A_261] : memref<4096x200x64xf32, #tpu.memory_space<hbm>> -> memref<1x200x64xf32, #tpu.memory_space<hbm>>
        %dma_wait3A_263 = tpu.memref_squeeze %dma_wait3A_262 : memref<1x200x64xf32, #tpu.memory_space<hbm>> -> memref<200x64xf32, #tpu.memory_space<hbm>>
        tpu.wait_dma2 semaphore(%arg18 : memref<!tpu.dma_semaphore, #tpu.memory_space<semaphore_mem>>) src(%arg14 : memref<200x64xf32, #tpu.memory_space<vmem>>) dst(%dma_wait3A_263 : memref<200x64xf32, #tpu.memory_space<hbm>>)
      } else {
      }
      %parallel_loop3A_243 = arith.constant 0 : i32
      %parallel_loop3A_244 = arith.constant 200 : i32
      %parallel_loop3A_245 = arith.constant 1 : i32
      scf.for %parallel_loop3A_255 = %parallel_loop3A_243 to %parallel_loop3A_244 step %parallel_loop3A_245  : i32 {
        %parallel_loop3A_256 = arith.index_cast %parallel_loop3A_255 : i32 to index
        %parallel_loop3A_257 = tpu.vector_load %arg7[%parallel_loop3A_256] {strides = array<i32>} : memref<216xi32, #tpu.memory_space<vmem>>, vector<16xi32>,
        %parallel_loop3A_258 = vector.shape_cast %parallel_loop3A_257 : vector<16xi32> to vector<16xi32>
        %parallel_loop3A_259 = vector.extract_strided_slice %parallel_loop3A_258 {offsets = [0], sizes = [1], strides = [1]} : vector<16xi32> to vector<1xi32>
        %parallel_loop3A_260 = vector.extract %parallel_loop3A_259[0] : i32 from vector<1xi32>
        %parallel_loop3A_261 = arith.constant 1 : i32
        %parallel_loop3A_262 = arith.andi %parallel_loop3A_260, %parallel_loop3A_261 : i32
        %parallel_loop3A_263 = arith.constant 6 : i32
        %parallel_loop3A_264 = arith.shli %parallel_loop3A_262, %parallel_loop3A_263 : i32
        %parallel_loop3A_265 = arith.index_cast %parallel_loop3A_255 : i32 to index
        %parallel_loop3A_266 = arith.constant 0 : index
        %parallel_loop3A_267 = tpu.vector_load %arg10[%parallel_loop3A_265, %parallel_loop3A_266] {strides = array<i32>} : memref<200x128xf32, #tpu.memory_space<vmem>>, vector<1x16xf32>,
        %parallel_loop3A_268 = vector.shape_cast %parallel_loop3A_267 : vector<1x16xf32> to vector<16xf32>
        %parallel_loop3A_269 = arith.index_cast %parallel_loop3A_255 : i32 to index
        %parallel_loop3A_270 = arith.constant 16 : index
        %parallel_loop3A_271 = tpu.vector_load %arg10[%parallel_loop3A_269, %parallel_loop3A_270] {strides = array<i32>} : memref<200x128xf32, #tpu.memory_space<vmem>>, vector<1x16xf32>,
        %parallel_loop3A_272 = vector.shape_cast %parallel_loop3A_271 : vector<1x16xf32> to vector<16xf32>
        %parallel_loop3A_273 = arith.index_cast %parallel_loop3A_255 : i32 to index
        %parallel_loop3A_274 = arith.constant 32 : index
        %parallel_loop3A_275 = tpu.vector_load %arg10[%parallel_loop3A_273, %parallel_loop3A_274] {strides = array<i32>} : memref<200x128xf32, #tpu.memory_space<vmem>>, vector<1x16xf32>,
        %parallel_loop3A_276 = vector.shape_cast %parallel_loop3A_275 : vector<1x16xf32> to vector<16xf32>
        %parallel_loop3A_277 = arith.index_cast %parallel_loop3A_255 : i32 to index
        %parallel_loop3A_278 = arith.constant 48 : index
        %parallel_loop3A_279 = tpu.vector_load %arg10[%parallel_loop3A_277, %parallel_loop3A_278] {strides = array<i32>} : memref<200x128xf32, #tpu.memory_space<vmem>>, vector<1x16xf32>,
        %parallel_loop3A_280 = vector.shape_cast %parallel_loop3A_279 : vector<1x16xf32> to vector<16xf32>
        %parallel_loop3A_281 = arith.index_cast %parallel_loop3A_255 : i32 to index
        %parallel_loop3A_282 = arith.constant 64 : index
        %parallel_loop3A_283 = tpu.vector_load %arg10[%parallel_loop3A_281, %parallel_loop3A_282] {strides = array<i32>} : memref<200x128xf32, #tpu.memory_space<vmem>>, vector<1x16xf32>,
        %parallel_loop3A_284 = vector.shape_cast %parallel_loop3A_283 : vector<1x16xf32> to vector<16xf32>
        %parallel_loop3A_285 = arith.index_cast %parallel_loop3A_255 : i32 to index
        %parallel_loop3A_286 = arith.constant 80 : index
        %parallel_loop3A_287 = tpu.vector_load %arg10[%parallel_loop3A_285, %parallel_loop3A_286] {strides = array<i32>} : memref<200x128xf32, #tpu.memory_space<vmem>>, vector<1x16xf32>,
        %parallel_loop3A_288 = vector.shape_cast %parallel_loop3A_287 : vector<1x16xf32> to vector<16xf32>
        %parallel_loop3A_289 = arith.index_cast %parallel_loop3A_255 : i32 to index
        %parallel_loop3A_290 = arith.index_cast %parallel_loop3A_264 : i32 to index
        %parallel_loop3A_291 = tpu.vector_load %arg12[%parallel_loop3A_289, %parallel_loop3A_290] {strides = array<i32>} : memref<200x128xf32, #tpu.memory_space<vmem>>, vector<1x16xf32>,
        %parallel_loop3A_292 = vector.shape_cast %parallel_loop3A_291 : vector<1x16xf32> to vector<16xf32>
        %parallel_loop3A_293 = arith.constant 16 : i32
        %parallel_loop3A_294 = arith.addi %parallel_loop3A_264, %parallel_loop3A_293 : i32
        %parallel_loop3A_295 = arith.index_cast %parallel_loop3A_255 : i32 to index
        %parallel_loop3A_296 = arith.index_cast %parallel_loop3A_294 : i32 to index
        %parallel_loop3A_297 = tpu.vector_load %arg12[%parallel_loop3A_295, %parallel_loop3A_296] {strides = array<i32>} : memref<200x128xf32, #tpu.memory_space<vmem>>, vector<1x16xf32>,
        %parallel_loop3A_298 = vector.shape_cast %parallel_loop3A_297 : vector<1x16xf32> to vector<16xf32>
        %parallel_loop3A_299 = arith.constant 32 : i32
        %parallel_loop3A_300 = arith.addi %parallel_loop3A_264, %parallel_loop3A_299 : i32
        %parallel_loop3A_301 = arith.index_cast %parallel_loop3A_255 : i32 to index
        %parallel_loop3A_302 = arith.index_cast %parallel_loop3A_300 : i32 to index
        %parallel_loop3A_303 = tpu.vector_load %arg12[%parallel_loop3A_301, %parallel_loop3A_302] {strides = array<i32>} : memref<200x128xf32, #tpu.memory_space<vmem>>, vector<1x16xf32>,
        %parallel_loop3A_304 = vector.shape_cast %parallel_loop3A_303 : vector<1x16xf32> to vector<16xf32>
        %parallel_loop3A_305 = arith.constant 48 : i32
        %parallel_loop3A_306 = arith.addi %parallel_loop3A_264, %parallel_loop3A_305 : i32
        %parallel_loop3A_307 = arith.index_cast %parallel_loop3A_255 : i32 to index
        %parallel_loop3A_308 = arith.index_cast %parallel_loop3A_306 : i32 to index
        %parallel_loop3A_309 = tpu.vector_load %arg12[%parallel_loop3A_307, %parallel_loop3A_308] {strides = array<i32>} : memref<200x128xf32, #tpu.memory_space<vmem>>, vector<1x16xf32>,
        %parallel_loop3A_310 = vector.shape_cast %parallel_loop3A_309 : vector<1x16xf32> to vector<16xf32>
        %parallel_loop3A_311 = arith.mulf %parallel_loop3A_292, %parallel_loop3A_268 : vector<16xf32>
        %parallel_loop3A_312 = arith.mulf %parallel_loop3A_304, %parallel_loop3A_284 : vector<16xf32>
        %parallel_loop3A_313 = arith.addf %parallel_loop3A_311, %parallel_loop3A_312 : vector<16xf32>
        %parallel_loop3A_314 = arith.index_cast %parallel_loop3A_255 : i32 to index
        %parallel_loop3A_315 = arith.constant 0 : index
        %parallel_loop3A_316 = tpu.vector_load %arg14[%parallel_loop3A_314, %parallel_loop3A_315] {strides = array<i32>} : memref<200x64xf32, #tpu.memory_space<vmem>>, vector<1x16xf32>,
        %parallel_loop3A_317 = vector.shape_cast %parallel_loop3A_316 : vector<1x16xf32> to vector<16xf32>
        %parallel_loop3A_318 = vector.shape_cast %parallel_loop3A_313 : vector<16xf32> to vector<1x16xf32>
        tpu.vector_store %arg14[%parallel_loop3A_314, %parallel_loop3A_315], %parallel_loop3A_318 {strides = array<i32>} : memref<200x64xf32, #tpu.memory_space<vmem>>, vector<1x16xf32>,
        %parallel_loop3A_319 = arith.mulf %parallel_loop3A_298, %parallel_loop3A_272 : vector<16xf32>
        %parallel_loop3A_320 = arith.mulf %parallel_loop3A_310, %parallel_loop3A_288 : vector<16xf32>
        %parallel_loop3A_321 = arith.addf %parallel_loop3A_319, %parallel_loop3A_320 : vector<16xf32>
        %parallel_loop3A_322 = arith.index_cast %parallel_loop3A_255 : i32 to index
        %parallel_loop3A_323 = arith.constant 16 : index
        %parallel_loop3A_324 = tpu.vector_load %arg14[%parallel_loop3A_322, %parallel_loop3A_323] {strides = array<i32>} : memref<200x64xf32, #tpu.memory_space<vmem>>, vector<1x16xf32>,
        %parallel_loop3A_325 = vector.shape_cast %parallel_loop3A_324 : vector<1x16xf32> to vector<16xf32>
        %parallel_loop3A_326 = vector.shape_cast %parallel_loop3A_321 : vector<16xf32> to vector<1x16xf32>
        tpu.vector_store %arg14[%parallel_loop3A_322, %parallel_loop3A_323], %parallel_loop3A_326 {strides = array<i32>} : memref<200x64xf32, #tpu.memory_space<vmem>>, vector<1x16xf32>,
        %parallel_loop3A_327 = arith.mulf %parallel_loop3A_304, %parallel_loop3A_268 : vector<16xf32>
        %parallel_loop3A_328 = arith.mulf %parallel_loop3A_292, %parallel_loop3A_276 : vector<16xf32>
        %parallel_loop3A_329 = arith.addf %parallel_loop3A_327, %parallel_loop3A_328 : vector<16xf32>
        %parallel_loop3A_330 = arith.index_cast %parallel_loop3A_255 : i32 to index
        %parallel_loop3A_331 = arith.constant 32 : index
        %parallel_loop3A_332 = tpu.vector_load %arg14[%parallel_loop3A_330, %parallel_loop3A_331] {strides = array<i32>} : memref<200x64xf32, #tpu.memory_space<vmem>>, vector<1x16xf32>,
        %parallel_loop3A_333 = vector.shape_cast %parallel_loop3A_332 : vector<1x16xf32> to vector<16xf32>
        %parallel_loop3A_334 = vector.shape_cast %parallel_loop3A_329 : vector<16xf32> to vector<1x16xf32>
        tpu.vector_store %arg14[%parallel_loop3A_330, %parallel_loop3A_331], %parallel_loop3A_334 {strides = array<i32>} : memref<200x64xf32, #tpu.memory_space<vmem>>, vector<1x16xf32>,
        %parallel_loop3A_335 = arith.mulf %parallel_loop3A_310, %parallel_loop3A_272 : vector<16xf32>
        %parallel_loop3A_336 = arith.mulf %parallel_loop3A_298, %parallel_loop3A_280 : vector<16xf32>
        %parallel_loop3A_337 = arith.addf %parallel_loop3A_335, %parallel_loop3A_336 : vector<16xf32>
        %parallel_loop3A_338 = arith.index_cast %parallel_loop3A_255 : i32 to index
        %parallel_loop3A_339 = arith.constant 48 : index
        %parallel_loop3A_340 = tpu.vector_load %arg14[%parallel_loop3A_338, %parallel_loop3A_339] {strides = array<i32>} : memref<200x64xf32, #tpu.memory_space<vmem>>, vector<1x16xf32>,
        %parallel_loop3A_341 = vector.shape_cast %parallel_loop3A_340 : vector<1x16xf32> to vector<16xf32>
        %parallel_loop3A_342 = vector.shape_cast %parallel_loop3A_337 : vector<16xf32> to vector<1x16xf32>
        tpu.vector_store %arg14[%parallel_loop3A_338, %parallel_loop3A_339], %parallel_loop3A_342 {strides = array<i32>} : memref<200x64xf32, #tpu.memory_space<vmem>>, vector<1x16xf32>,
      } {sc.loop_unroll_factor = 8 : i64, sc.parallel_access}
      %add3A_246 = arith.addi %mul3A_2, %add3A_214 : i32
      %dma_start3A_247 = arith.constant 0 : i32
      %dma_start3A_248 = arith.constant 0 : i32
      %dma_start3A_249 = tpu.memref_slice %arg5[%add3A_246, %dma_start3A_247, %dma_start3A_248] : memref<4096x200x64xf32, #tpu.memory_space<hbm>> -> memref<1x200x64xf32, #tpu.memory_space<hbm>>
      %dma_start3A_250 = tpu.memref_squeeze %dma_start3A_249 : memref<1x200x64xf32, #tpu.memory_space<hbm>> -> memref<200x64xf32, #tpu.memory_space<hbm>>
      %dma_start3A_251 = arith.constant 0 : i32
      %dma_start3A_252 = arith.constant 0 : i32
      %dma_start3A_253 = tpu.memref_slice %arg5[%add3A_246, %dma_start3A_251, %dma_start3A_252] : memref<4096x200x64xf32, #tpu.memory_space<hbm>> -> memref<1x200x64xf32, #tpu.memory_space<hbm>>
      %dma_start3A_254 = tpu.memref_squeeze %dma_start3A_253 : memref<1x200x64xf32, #tpu.memory_space<hbm>> -> memref<200x64xf32, #tpu.memory_space<hbm>>
      tpu.enqueue_dma source(%arg14 : memref<200x64xf32, #tpu.memory_space<vmem>>) target(%dma_start3A_254 : memref<200x64xf32, #tpu.memory_space<hbm>>) target_semaphore(%arg18 : memref<!tpu.dma_semaphore, #tpu.memory_space<semaphore_mem>>)
    }
    %scan3A_153 = arith.constant 64 : i32
    %dma_wait3A = arith.constant 0 : i32
    %dma_wait3A_154 = arith.constant 0 : i32
    %dma_wait3A_155 = tpu.memref_slice %arg5[%mul3A_2, %dma_wait3A, %dma_wait3A_154] : memref<4096x200x64xf32, #tpu.memory_space<hbm>> -> memref<1x200x64xf32, #tpu.memory_space<hbm>>
    %dma_wait3A_156 = tpu.memref_squeeze %dma_wait3A_155 : memref<1x200x64xf32, #tpu.memory_space<hbm>> -> memref<200x64xf32, #tpu.memory_space<hbm>>
    %dma_wait3A_157 = arith.constant 0 : i32
    %dma_wait3A_158 = arith.constant 0 : i32
    %dma_wait3A_159 = tpu.memref_slice %arg5[%mul3A_2, %dma_wait3A_157, %dma_wait3A_158] : memref<4096x200x64xf32, #tpu.memory_space<hbm>> -> memref<1x200x64xf32, #tpu.memory_space<hbm>>
    %dma_wait3A_160 = tpu.memref_squeeze %dma_wait3A_159 : memref<1x200x64xf32, #tpu.memory_space<hbm>> -> memref<200x64xf32, #tpu.memory_space<hbm>>
    tpu.wait_dma2 semaphore(%arg17 : memref<!tpu.dma_semaphore, #tpu.memory_space<semaphore_mem>>) src(%arg13 : memref<200x64xf32, #tpu.memory_space<vmem>>) dst(%dma_wait3A_160 : memref<200x64xf32, #tpu.memory_space<hbm>>)
    %add3A_161 = arith.constant 1 : i32
    %add3A_162 = arith.addi %mul3A_2, %add3A_161 : i32
    %dma_wait3A_163 = arith.constant 0 : i32
    %dma_wait3A_164 = arith.constant 0 : i32
    %dma_wait3A_165 = tpu.memref_slice %arg5[%add3A_162, %dma_wait3A_163, %dma_wait3A_164] : memref<4096x200x64xf32, #tpu.memory_space<hbm>> -> memref<1x200x64xf32, #tpu.memory_space<hbm>>
    %dma_wait3A_166 = tpu.memref_squeeze %dma_wait3A_165 : memref<1x200x64xf32, #tpu.memory_space<hbm>> -> memref<200x64xf32, #tpu.memory_space<hbm>>
    %dma_wait3A_167 = arith.constant 0 : i32
    %dma_wait3A_168 = arith.constant 0 : i32
    %dma_wait3A_169 = tpu.memref_slice %arg5[%add3A_162, %dma_wait3A_167, %dma_wait3A_168] : memref<4096x200x64xf32, #tpu.memory_space<hbm>> -> memref<1x200x64xf32, #tpu.memory_space<hbm>>
    %dma_wait3A_170 = tpu.memref_squeeze %dma_wait3A_169 : memref<1x200x64xf32, #tpu.memory_space<hbm>> -> memref<200x64xf32, #tpu.memory_space<hbm>>
    tpu.wait_dma2 semaphore(%arg18 : memref<!tpu.dma_semaphore, #tpu.memory_space<semaphore_mem>>) src(%arg14 : memref<200x64xf32, #tpu.memory_space<vmem>>) dst(%dma_wait3A_170 : memref<200x64xf32, #tpu.memory_space<hbm>>)
    return
  }
}

</mosaic_0001>

<sc_bundles>
// kernel: kernel.3.cloned.1.call-start
scs
__scs_entry_jumppad:
0x0: {  	(pc) =	sbr.rel $0x88, $3  }
0x1: {  	(tag) =	ssettag $0x0;
	lr =	simm.s32 $0x1  }
0x2: {  	[smem:$0x3F9F] =	sst lr;
	_ =	strace $0xD0000000  }
0x3: {  	_ = 	snop  }
0x4: {  	_ = 	snop  }
0x5: {  	_ = 	snop  }
0x6: {  	_ = 	snop  }
0x7: {  	_ = 	snop  }
__scs_overlays_trampoline_lowered:
0x8: {  	[smem:$0x3FAE] =	sst s0  }
0x9: {  	[smem:$0x3FAF] =	sst s1  }
0xa: {  	[smem:$0x3FB0] =	sst s2  }
0xb: {  	[smem:$0x3FB1] =	sst s3  }
0xc: {  	[smem:$0x3FB2] =	sst s4  }
0xd: {  	[smem:$0x3FB3] =	sst s5  }
0xe: {  	[smem:$0x3FB4] =	sst s6  }
0xf: {  	[smem:$0x3FB5] =	sst s7  }
0x10: {  	[smem:$0x3FB6] =	sst s8  }
0x11: {  	[smem:$0x3FB7] =	sst s9;
	s0 =	simm.s32 @!p0 $0x0  }
0x12: {  	s1 =	sld [smem:$0x3F9D];
	s0 =	simm.s32 @p0 $0x1  }
0x13: {  	[smem:$0x3FB8] =	sst s0;
	s0 =	simm.s32 @!p1 $0x0  }
0x14: {  	s2 =	sld [smem:$0x3F9C];
	s0 =	simm.s32 @p1 $0x1  }
0x15: {  	[smem:$0x3FB9] =	sst s0;
	s0 =	simm.s32 @!p2 $0x0  }
0x16: {  	s3 =	sld [smem:$0x3FDB];
	s0 =	simm.s32 @p2 $0x1  }
0x17: {  	s4 =	simm.s32 $0x1BF5;
	[smem:$0x3FBB] =	sst s0  }
0x18: {  	s0 =	sld [smem:$0x3F9E];
	_ =	swait.ge [sflag:s4], $0x0  }
0x19: {  	s7 =	sld [smem:$0x3F9F]  }
0x1a: {  	s8 =	sadd.s32 $0xFFFFE003, lr  }
0x1b: {  	s9 =	sadd.s32 $0xFFFFFEF7, lr;
	s5 =	simm.s32 $0xFFFFFFFF;
	p2 =	slt.u32 s8, $0xFFFFF086  }
0x1c: {  	p1 =	slt.u32 s9, $0xF7A;
	s5 =	simm.s32 @!p2 $0x0  }
0x1d: {  	s5 =	simm.s32 @p1 $0x1;
	p0 =	seq.s32 s7, s2  }
0x1e: {  	s7 =	smul.u32 @!p0 $0xF7A, s2;
	p2 =	seq.s32 @!p0 s5, $0x0  }
0x1f: {  	s9 =	smul.u32 $0xF7A, s1;
	s8 =	simm.s32 @!p0 $0x1BF5;
	p2 =	por !p2, p0  }
0x20: {  	[sflag:s8] =	ssyncset.s32 @!p0 $0xFFFFF086;
	s6 =	sadd.s32 @!p0 s3, s7;
	s7 =	simm.s32 @!p0 $0x108  }
0x21: {  	s3 =	sadd.s32 s3, s9;
	s6 =	sadd.s32 @!p0 $0x88, s6;
	s7 =	simm.s32 @p2 $0x1082  }
0x22: {  	[simem:s7], [sflag:s8] =	dma.local @!p0 [hbm:s6], $0xF7A  }
0x23: {  	s9 =	sor.u32 $0xD0000000, s2;
	s6 =	simm.s32 $0x108;
	_ =	swait.ge @!p0 [sflag:s8], $0x0  }
0x24: {  	s3 =	sadd.s32 $0x88, s3;
	s6 =	simm.s32 @!p1 $0x1082;
	[sflag:s4] =	ssyncset.s32 $0xFFFFF086  }
0x25: {  	[simem:s6], [sflag:s4] =	dma.local [hbm:s3], $0xF7A  }
0x26: {  	[smem:$0x3F9F] =	sst s1;
	(tag) =	ssettag s2;
	_ =	strace s9  }
0x27: {  	s1 =	sld [smem:$0x3FAF]  }
0x28: {  	s2 =	sld [smem:$0x3FB0]  }
0x29: {  	s4 =	sld [smem:$0x3FB2]  }
0x2a: {  	p0 =	seq.s32 s5, $0x0;
	s5 =	sld [smem:$0x3FB3]  }
0x2b: {  	s6 =	sld [smem:$0x3FB4]  }
0x2c: {  	s7 =	sld [smem:$0x3FB5]  }
0x2d: {  	s3 =	simm.s32 $0x108;
	s8 =	sld [smem:$0x3FB6]  }
0x2e: {  	s3 =	simm.s32 @!p0 $0x1082;
	s9 =	sld [smem:$0x3FB7]  }
0x2f: {  	lr =	sadd.s32 s0, s3;
	s0 =	sld [smem:$0x3FAE]  }
0x30: {  	s3 =	sld [smem:$0x3FB1]  }
0x31: {  	[smem:$0x3FBA] =	sst s10  }
0x32: {  	s10 =	sld [smem:$0x3FB8];
	_ =	sdelay $0x3  }
0x33: {  	p0 =	seq.s32 s10, $0x1;
	s10 =	sld [smem:$0x3FBA];
	_ =	sdelay $0x3  }
0x34: {  	[smem:$0x3FBA] =	sst s10  }
0x35: {  	s10 =	sld [smem:$0x3FB9];
	_ =	sdelay $0x3  }
0x36: {  	p1 =	seq.s32 s10, $0x1;
	s10 =	sld [smem:$0x3FBA];
	_ =	sdelay $0x3  }
0x37: {  	[smem:$0x3FBA] =	sst s10  }
0x38: {  	s10 =	sld [smem:$0x3FBB]  }
0x39: {  	_ = 	snop;
	(pc) =	sbr.ind lr, $3  }
0x3a: {  	_ = 	snop  }
0x3b: {  	_ = 	snop  }
0x3c: {  	p2 =	seq.s32 s10, $0x1;
	s10 =	sld [smem:$0x3FBA]  }
0x3d: {  	_ =	shalt  }
0x3e: {  	_ =	shalt  }
0x3f: {  	_ =	shalt  }
0x40: {  	_ =	shalt  }
0x41: {  	_ =	shalt  }
0x42: {  	_ =	shalt  }
0x43: {  	_ =	shalt  }
0x44: {  	_ =	shalt  }
0x45: {  	_ =	shalt  }
0x46: {  	_ =	shalt  }
0x47: {  	_ =	shalt  }
0x48: {  	_ =	shalt  }
0x49: {  	_ =	shalt  }
0x4a: {  	_ =	shalt  }
0x4b: {  	_ =	shalt  }
0x4c: {  	_ =	shalt  }
0x4d: {  	_ =	shalt  }
0x4e: {  	_ =	shalt  }
0x4f: {  	_ =	shalt  }
0x50: {  	_ =	shalt  }
0x51: {  	_ =	shalt  }
0x52: {  	_ =	shalt  }
0x53: {  	_ =	shalt  }
0x54: {  	_ =	shalt  }
0x55: {  	_ =	shalt  }
0x56: {  	_ =	shalt  }
0x57: {  	_ =	shalt  }
0x58: {  	_ =	shalt  }
0x59: {  	_ =	shalt  }
0x5a: {  	_ =	shalt  }
0x5b: {  	_ =	shalt  }
0x5c: {  	_ =	shalt  }
0x5d: {  	_ =	shalt  }
0x5e: {  	_ =	shalt  }
0x5f: {  	_ =	shalt  }
0x60: {  	_ =	shalt  }
0x61: {  	_ =	shalt  }
0x62: {  	_ =	shalt  }
0x63: {  	_ =	shalt  }
0x64: {  	_ =	shalt  }
0x65: {  	_ =	shalt  }
0x66: {  	_ =	shalt  }
0x67: {  	_ =	shalt  }
0x68: {  	_ =	shalt  }
0x69: {  	_ =	shalt  }
0x6a: {  	_ =	shalt  }
0x6b: {  	_ =	shalt  }
0x6c: {  	_ =	shalt  }
0x6d: {  	_ =	shalt  }
0x6e: {  	_ =	shalt  }
0x6f: {  	_ =	shalt  }
0x70: {  	_ =	shalt  }
0x71: {  	_ =	shalt  }
0x72: {  	_ =	shalt  }
0x73: {  	_ =	shalt  }
0x74: {  	_ =	shalt  }
0x75: {  	_ =	shalt  }
0x76: {  	_ =	shalt  }
0x77: {  	_ =	shalt  }
0x78: {  	_ =	shalt  }
0x79: {  	_ =	shalt  }
0x7a: {  	_ =	shalt  }
0x7b: {  	_ =	shalt  }
0x7c: {  	_ =	shalt  }
0x7d: {  	_ =	shalt  }
0x7e: {  	_ =	shalt  }
0x7f: {  	_ =	shalt  }
0x80: {  	_ =	shalt  }
0x81: {  	_ =	shalt  }
0x82: {  	_ =	shalt  }
0x83: {  	_ =	shalt  }
0x84: {  	_ =	shalt  }
0x85: {  	_ =	shalt  }
0x86: {  	_ =	shalt  }
0x87: {  	_ =	shalt  }
.Lfunc_end0:
.L_simem_size_0:
called_computation_lowered:
.L_overlay_start_0:
0x88: {  	s2 =	sld [smem:$0x3FD9]  }
0x89: {  	s3 =	sld [smem:$0x3FFE];
	_ =	sdelay $0x1  }
0x8a: {  	s1 =	srdreg.scid  }
0x8b: {  	s0 =	sand.u32 $0x1, s1  }
0x8c: {  	s17 =	sshll.u32 s0, $0xA;
	s2 =	sadd.s32 s3, s2  }
0x8d: {  	s2 =	sadd.s32 s2, s17  }
0x8e: {  	[smem:$0x3FC6] =	sst s2  }
0x8f: {  	_ = 	snop  }
0x90: {  	s2 =	sld [smem:$0x3FD0];
	(tm) =	ssettm $0x1  }
0x91: {  	s18 =	sld [smem:$0x3FFB];
	_ =	sdelay $0x3  }
0x92: {  	_ =	strace s18  }
0x93: {  	s3 =	sld [smem:$0x3FFC];
	_ =	sdelay $0x3  }
0x94: {  	_ =	strace s3  }
0x95: {  	s3 =	sld [smem:$0x3FFD];
	_ =	sdelay $0x3  }
0x96: {  	_ =	strace s3  }
0x97: {  	_ =	strace $0x8FFFFFFF  }
0x98: {  	s19 =	sld [smem:$0x3FDB];
	_ =	sdelay $0x1  }
0x99: {  	s4 =	simm.s32 $_scs_section_size  }
0x9a: {  	s5 =	simm.s32 $_size__tile_overlayer_lowered;
	s6 =	simm.s32 $_tile_overlayer_lowered  }
0x9b: {  	s22 =	simm.s32 $0x1BFF;
	s21 =	sshll.u32 s6, $0x1;
	s3 =	sadd.s32 s4, s19  }
0x9c: {  	s7 =	simm.s32 $0x0;
	s20 =	sshll.u32 s5, $0x1;
	s5 =	sadd.s32 s21, s3  }
0x9d: {  	[timem:s7], [sflag:s22] =	dma.local [hbm:s5], s20  }
0x9e: {  	_ =	swait.ge [sflag:s22], s20  }
0x9f: {  	s4 =	ssub.s32 $0x0, s20;
	[sflag:s22] =	ssyncset.done $0x0  }
0xa0: {  	[sflag:s22] =	ssyncadd.s32 s4;
	_ =	sdelay $0x1  }
0xa1: {  	s23 =	simm.s32 $0x1B8B  }
0xa2: {  	_ =	swait.ge [sflag:s23], $0x1  }
0xa3: {  	[sflag:s23] =	ssyncset.done $0x0  }
0xa4: {  	s25 =	simm.s32 $0x1B8E;
	s24 =	sld [smem:$0x3FFE];
	[sflag:s23] =	ssyncadd.s32 $0xFFFFFFFF  }
0xa5: {  	s26 =	simm.s32 $execute0_lowered;
	[smem:$0x3FD2] =	sst s25  }
0xa6: {  	s5 =	sshll.u32 s26, $0x1;
	_ =	strace $0x80000046;
	[dreg:$0x1] =	wrdreg $0xFFFFFFFF  }
0xa7: {  	s28 =	simm.s32 $_size_execute0_lowered;
	s3 =	sadd.s32 s3, s5;
	[dreg:$0x0] =	wrdreg $0x0  }
0xa8: {  	s5 =	sshll.u32 s28, $0x1;
	[dreg:$0x2] =	wrdreg s3  }
0xa9: {  	[dreg:$0x3] =	wrdreg s5  }
0xaa: {  	[dreg:$0x4] =	wrdreg $0xC0  }
0xab: {  	_ =	task [dreg:s7], $0x5FFFF  }
0xac: {  	[dreg:$0x1] =	wrdreg $0xFFFFFFFF  }
0xad: {  	[dreg:$0x0] =	wrdreg $0x60  }
0xae: {  	[dreg:$0x2] =	wrdreg s2  }
0xaf: {  	[dreg:$0x3] =	wrdreg s24  }
0xb0: {  	[dreg:$0x4] =	wrdreg $0x9  }
0xb1: {  	_ =	task.clear_ibuf [dreg:s7], $0x5FFFF;
	_ =	strace $0x90000046  }
0xb2: {  	s29 =	simm.s32 $0x9;
	_ =	strace $0x80000048  }
0xb3: {  	_ =	swait.ge [sflag:s29], $0x1  }
0xb4: {  	[sflag:s29] =	ssyncadd.s32 $0xFFFFFFFF  }
0xb5: {  	_ =	strace $0x90000048  }
0xb6: {  	_ =	sfence  }
0xb7: {  	s30 =	sld [smem:$0x0];
	_ =	sdelay $0x2  }
0xb8: {  	s31 =	sshll.u32 s1, $0xD;
	s1 =	sshrl.u32 s1, $0x2  }
0xb9: {  	s3 =	sand.u32 $0x4000, s31;
	s1 =	sadd.s32 s1, s30  }
0xba: {  	s0 =	sor.u32 s3, s0;
	s1 =	sshll.u32 s1, $0x11  }
0xbb: {  	s0 =	sor.u32 s1, s0  }
0xbc: {  	s0 =	sadd.s32 $0x8F2B, s0  }
0xbd: {  	[sflag:s0] =	ssyncadd.remote.s32 $0x1  }
0xbe: {  	_ =	sfence.sel $0xFFFF  }
0xbf: {  	[dreg:$0x0] =	wrdreg $0xFFFFFFFF;
	(pc) =	sbr.abs _section_cstart, $3  }
0xc0: {  	[dreg:$0x1] =	wrdreg $0xFFFFFFFF  }
0xc1: {  	_ =	task.clear_ibuf [dreg:s7], $0x2FFFF;
	_ =	strace $0x9FFFFFFF  }
0xc2: {  	(tm) =	ssettm $0x7FFFFFFF  }
0xc3: {  	_ =	shalt  }
tec
execute0_lowered:
.L_overlay_start_1:
0x0: {  	(tag) =	ssettag $0x1  }
0x1: {  	s1 =	rddreg [dreg:$0x0]  }
0x2: {  	s0 =	rddreg [dreg:$0x1];
	s3 =	simm.s32 $0x0  }
0x3: {  	s2 =	srdreg.scid;
	s4 =	stileid.u32;
	s13 =	simm.s32 $0x5  }
0x4: {  	s14 =	simm.s32 $0x68;
	s17 =	simm.s32 $0x60;
	s28 =	simm.s32 $0x2  }
0x5: {  	s29 =	simm.s32 $0x19400;
	[smem:$0x7FF] =	sst s3;
	s2 =	sand.u32 $0x1, s2  }
0x6: {  	s5 =	sshll.u32 s4, $0x1;
	s4 =	sadd.s32 $0xF45C00, s0;
	s25 =	sadd.s32 $0xE00, s0  }
0x7: {  	s6 =	sadd.s32 $0x1C00, s0;
	s7 =	ssub.s32 $0x2, s2;
	s2 =	sor.u32 s2, s5  }
0x8: {  	_ =	strace $0x80000047;
	[dreg:$0x3] =	wrdreg s25;
	s8 =	smul.u32 $0xC80, s2  }
0x9: {  	s25 =	simm.s32 $0x1;
	s5 =	simm.s32 $0x0;
	s26 =	sshrl.u32 s7, $0x1  }
0xa: {  	s30 =	ssub.s32 s7, s26;
	s7 =	sshll.u32 s2, $0x7;
	s31 =	sadd.s32 s1, s8  }
0xb: {  	s26 =	simm.s32 $0x13000;
	s0 =	smax.u32 s30, $0x1;
	[dreg:$0x4] =	wrdreg s31  }
0xc: {  	s9 =	sor.u32 $0x2, s7;
	s11 =	sor.u32 $0x1, s7;
	[dreg:$0x5] =	wrdreg s0  }
.LBB2_1:
0xd: {  	[dreg:$0x6] =	wrdreg s5  }
0xe: {  	s0 =	rddreg [dreg:$0x3];
	s2 =	simm.s32 $0x400  }
0xf: {  	[tilespmem:s2], [sflag:$0x5] =	stream.linear.gather [hbm4b:s0+s3], $0x6400, $0x38;
	[tilespmem:$0x1F800] =	vst v63  }
0x10: {  	_ =	swait.ge [sflag:s13], $0x6400  }
0x11: {  	[sflag:s13] =	ssyncset.done $0x0  }
0x12: {  	s22 =	rddreg [dreg:$0x4];
	[sflag:s13] =	ssyncadd.s32 $0xFFFF9C00  }
0x13: {  	[tilespmem:s3], [sflag:$0x5] =	stream.linear.gather [hbm4b:s22+s3], $0xC8, $0x38;
	[tilespmem:$0x1F800] =	vst v63  }
0x14: {  	_ =	swait.ge [sflag:s13], $0xC8  }
0x15: {  	[sflag:s13] =	ssyncset.done $0x0  }
0x16: {  	[sflag:s13] =	ssyncadd.s32 $0xFFFFFF38  }
0x17: {  	v0 =	vld [tilespmem:$0x0]  }
0x18: {  	v1 =	vld [tilespmem:$0x10]  }
0x19: {  	v2 =	vld [tilespmem:$0x20]  }
0x1a: {  	v3 =	vld [tilespmem:$0x30]  }
0x1b: {  	v4 =	vld [tilespmem:$0x40]  }
0x1c: {  	v5 =	vld [tilespmem:$0x50];
	v0 =	vshrl.u32 v0, $0x1  }
0x1d: {  	v46 =	vld [tilespmem:$0x60];
	v45 =	vshrl.u32 v1, $0x1;
	[tilespmem:$0x200] =	vst v0  }
0x1e: {  	v48 =	vld [tilespmem:$0x70];
	v47 =	vshrl.u32 v2, $0x1;
	[tilespmem:$0x210] =	vst v45  }
0x1f: {  	v50 =	vld [tilespmem:$0x80];
	v49 =	vshrl.u32 v3, $0x1;
	[tilespmem:$0x220] =	vst v47  }
0x20: {  	v52 =	vld [tilespmem:$0x90];
	v51 =	vshrl.u32 v4, $0x1;
	[tilespmem:$0x230] =	vst v49  }
0x21: {  	v54 =	vld [tilespmem:$0xA0];
	v53 =	vshrl.u32 v5, $0x1;
	[tilespmem:$0x240] =	vst v51  }
0x22: {  	v56 =	vld [tilespmem:$0xB0];
	v55 =	vshrl.u32 v46, $0x1;
	[tilespmem:$0x250] =	vst v53  }
0x23: {  	v58 =	vld [tilespmem:$0xB8];
	v57 =	vshrl.u32 v48, $0x1;
	[tilespmem:$0x260] =	vst v55  }
0x24: {  	v59 =	vshrl.u32 v50, $0x1;
	[tilespmem:$0x270] =	vst v57  }
0x25: {  	v60 =	vshrl.u32 v52, $0x1;
	[tilespmem:$0x280] =	vst v59  }
0x26: {  	v61 =	vshrl.u32 v54, $0x1;
	[tilespmem:$0x290] =	vst v60  }
0x27: {  	v62 =	vshrl.u32 v56, $0x1;
	[tilespmem:$0x2A0] =	vst v61  }
0x28: {  	v63 =	vshrl.u32 v58, $0x1;
	[tilespmem:$0x2B0] =	vst v62  }
0x29: {  	s23 =	simm.s32 $0x200;
	s24 =	simm.s32 $0x6800;
	[tilespmem:$0x2B8] =	vst v63  }
0x2a: {  	[tilespmem:s24], [sflag:$0x1] =	stream.indirect.gather [hbm4b:s4+s14], $0x80, s23, s14, $0xb8;
	[tilespmem:$0x1F800] =	vst v63  }
0x2b: {  	s30 =	simm.s32 $0x268;
	s31 =	simm.s32 $0x9C00;
	s2 =	simm.s32 $0x0  }
0x2c: {  	[tilespmem:s31], [sflag:$0x1] =	stream.indirect.gather [hbm4b:s4+s17], $0x80, s30, s17, $0xb8;
	[tilespmem:$0x1F800] =	vst v63  }
.LBB2_2:
0x2d: {  	s15 =	sshll.u32 s2, $0x1  }
0x2e: {  	s12 =	sor.u32 s11, s15  }
0x2f: {  	s5 =	smul.u32 $0x19, s12;
	_ =	sdelay $0x1  }
0x30: {  	s0 =	simm.s32 $0x100;
	s5 =	sadd.s32 s1, s5  }
0x31: {  	[tilespmem:s0], [sflag:$0x5] =	stream.linear.gather [hbm4b:s5+s3], $0xC8, $0x38;
	[tilespmem:$0x1F800] =	vst v63  }
0x32: {  	_ =	swait.ge [sflag:s13], $0xC8  }
0x33: {  	[sflag:s13] =	ssyncset.done $0x0  }
0x34: {  	[sflag:s13] =	ssyncadd.s32 $0xFFFFFF38  }
0x35: {  	v0 =	vld [tilespmem:$0x100]  }
0x36: {  	v1 =	vld [tilespmem:$0x110]  }
0x37: {  	v2 =	vld [tilespmem:$0x120]  }
0x38: {  	v3 =	vld [tilespmem:$0x130]  }
0x39: {  	v4 =	vld [tilespmem:$0x140]  }
0x3a: {  	v5 =	vld [tilespmem:$0x150];
	v0 =	vshrl.u32 v0, $0x1  }
0x3b: {  	[tilespmem:$0x300] =	vst v0;
	v0 =	vshrl.u32 v1, $0x1;
	v1 =	vld [tilespmem:$0x160]  }
0x3c: {  	[tilespmem:$0x310] =	vst v0;
	v0 =	vshrl.u32 v2, $0x1;
	v2 =	vld [tilespmem:$0x170]  }
0x3d: {  	[tilespmem:$0x320] =	vst v0;
	v0 =	vshrl.u32 v3, $0x1;
	v3 =	vld [tilespmem:$0x180]  }
0x3e: {  	[tilespmem:$0x330] =	vst v0;
	v0 =	vshrl.u32 v4, $0x1;
	v4 =	vld [tilespmem:$0x190]  }
0x3f: {  	[tilespmem:$0x340] =	vst v0;
	v0 =	vshrl.u32 v5, $0x1;
	v5 =	vld [tilespmem:$0x1A0]  }
0x40: {  	[tilespmem:$0x350] =	vst v0;
	v0 =	vshrl.u32 v1, $0x1;
	v1 =	vld [tilespmem:$0x1B0]  }
0x41: {  	[tilespmem:$0x360] =	vst v0;
	v0 =	vshrl.u32 v2, $0x1;
	v2 =	vld [tilespmem:$0x1B8]  }
0x42: {  	[tilespmem:$0x370] =	vst v0;
	v0 =	vshrl.u32 v3, $0x1  }
0x43: {  	[tilespmem:$0x380] =	vst v0;
	v0 =	vshrl.u32 v4, $0x1  }
0x44: {  	[tilespmem:$0x390] =	vst v0;
	v0 =	vshrl.u32 v5, $0x1  }
0x45: {  	[tilespmem:$0x3A0] =	vst v0;
	v0 =	vshrl.u32 v1, $0x1  }
0x46: {  	[tilespmem:$0x3B0] =	vst v0;
	v0 =	vshrl.u32 v2, $0x1  }
0x47: {  	s20 =	simm.s32 $0x300;
	s21 =	simm.s32 $0xCC00;
	[tilespmem:$0x3B8] =	vst v0  }
0x48: {  	[tilespmem:s21], [sflag:$0x2] =	stream.indirect.gather [hbm4b:s4+s14], $0x80, s20, s14, $0xb8;
	[tilespmem:$0x1F800] =	vst v63  }
0x49: {  	s22 =	simm.s32 $0x368;
	s23 =	simm.s32 $0x10000  }
0x4a: {  	[tilespmem:s23], [sflag:$0x2] =	stream.indirect.gather [hbm4b:s4+s17], $0x80, s22, s17, $0xb8;
	[tilespmem:$0x1F800] =	vst v63  }
0x4b: {  	_ =	swait.ge [sflag:s25], $0x3400  }
0x4c: {  	[sflag:s25] =	ssyncset.done $0x0  }
0x4d: {  	[sflag:s25] =	ssyncadd.s32 $0xFFFFCC00  }
0x4e: {  	_ =	swait.ge [sflag:s25], $0x3000  }
0x4f: {  	p0 =	seq.s32 s2, $0x0;
	[sflag:s25] =	ssyncset.done $0x0  }
0x50: {  	s5 =	simm.s32 @!p0 $0x3;
	[sflag:s25] =	ssyncadd.s32 $0xFFFFD000  }
0x51: {  	_ =	swait.ge @!p0 [sflag:s5], $0x6400  }
0x52: {  	[sflag:s5] =	ssyncset.done @!p0 $0x0  }
0x53: {  	s24 =	simm.s32 $0x4;
	[sflag:s5] =	ssyncadd.s32 @!p0 $0xFFFF9C00  }
0x54: {  	v0 =	vld [tilespmem:s24+$0x3];
	_ =	sdelay $0x3  }
0x55: {  	v1 =	vld [tilespmem:s24+$0xFFFFFFFD]  }
0x56: {  	(v2sf) =	vpush v0, $0x0;
	_ =	sdelay $0x3  }
0x57: {  	v2 =	vld [tilespmem:s24+$0xFFFFFFFE];
	(v2sf) =	vpush v1, $0x0  }
0x58: {  	v3 =	vld [tilespmem:s24+$0xFFFFFFFF];
	_ =	sdelay $0x3  }
0x59: {  	(v2sf) =	vpush v2, $0x0  }
0x5a: {  	(v2sf) =	vpush v3, $0x0;
	_ =	sdelay $0x2  }
0x5b: {  	v4 =	vld [tilespmem:s24+$0x0]  }
0x5c: {  	v5 =	vld [tilespmem:s24+$0x1]  }
0x5d: {  	v0 =	vld [tilespmem:s24+$0x2];
	s30 =	spop (v2sf)  }
0x5e: {  	s5 =	sand.u32 $0x1, s30  }
0x5f: {  	v1 =	vld [tilespmem:s24+$0xFFFFFFFC];
	s5 =	sshll.u32 s5, $0x6  }
0x60: {  	(v2sf) =	vpush v4, $0x0;
	s5 =	sadd.s32 $0x0, s5  }
0x61: {  	(v2sf) =	vpush v5, $0x0;
	s8 =	spop (v2sf);
	v3 =	vld [tilespmem:s5+$0x6B90]  }
0x62: {  	(v2sf) =	vpush v0, $0x0;
	s8 =	sand.u32 $0x1, s8;
	v0 =	vld [tilespmem:s5+$0x6BB0]  }
0x63: {  	s8 =	sshll.u32 s8, $0x6;
	v2 =	vld [tilespmem:s5+$0x6B80]  }
0x64: {  	(v2sf) =	vpush v1, $0x0;
	v1 =	vld [tilespmem:s5+$0x6BA0];
	s0 =	sadd.s32 $0x0, s8  }
0x65: {  	v19 =	vld [tilespmem:s0+$0x6880]  }
0x66: {  	s10 =	spop (v2sf);
	v20 =	vld [tilespmem:s0+$0x6890]  }
0x67: {  	s16 =	spop (v2sf);
	v21 =	vld [tilespmem:s0+$0x68A0]  }
0x68: {  	s21 =	sand.u32 $0x1, s16;
	s16 =	simm.s32 $0x0;
	v22 =	vld [tilespmem:s0+$0x68B0]  }
0x69: {  	v31 =	vld [tilespmem:s16+$0x790]  }
0x6a: {  	v32 =	vld [tilespmem:s16+$0x7B0]  }
0x6b: {  	v33 =	vld [tilespmem:s16+$0x400]  }
0x6c: {  	v34 =	vld [tilespmem:s16+$0x410]  }
0x6d: {  	v4 =	vld [tilespmem:s16+$0x420]  }
0x6e: {  	v5 =	vld [tilespmem:s16+$0x430]  }
0x6f: {  	v55 =	vld [tilespmem:s16+$0x440]  }
0x70: {  	v37 =	vld [tilespmem:s16+$0x450]  }
0x71: {  	v38 =	vld [tilespmem:s16+$0x480]  }
0x72: {  	v39 =	vld [tilespmem:s16+$0x490]  }
0x73: {  	v40 =	vld [tilespmem:s16+$0x4A0]  }
0x74: {  	v41 =	vld [tilespmem:s16+$0x4B0]  }
0x75: {  	v42 =	vld [tilespmem:s16+$0x4C0]  }
0x76: {  	v43 =	vld [tilespmem:s16+$0x4D0]  }
0x77: {  	v44 =	vld [tilespmem:s16+$0x500]  }
0x78: {  	v45 =	vld [tilespmem:s16+$0x510]  }
0x79: {  	v47 =	vld [tilespmem:s16+$0x520]  }
0x7a: {  	v56 =	vld [tilespmem:s16+$0x530]  }
0x7b: {  	v57 =	vld [tilespmem:s16+$0x540]  }
0x7c: {  	v59 =	vld [tilespmem:s16+$0x550]  }
0x7d: {  	s10 =	sand.u32 $0x1, s10;
	v61 =	vld [tilespmem:s16+$0x580]  }
0x7e: {  	s8 =	sshll.u32 s10, $0x6;
	v62 =	vld [tilespmem:s16+$0x5B0]  }
0x7f: {  	s20 =	sadd.s32 $0x0, s8;
	v63 =	vld [tilespmem:s16+$0x5C0]  }
0x80: {  	v23 =	vld [tilespmem:s20+$0x6900]  }
0x81: {  	v24 =	vld [tilespmem:s20+$0x6910]  }
0x82: {  	s18 =	spop (v2sf);
	s8 =	sshll.u32 s21, $0x6;
	v25 =	vld [tilespmem:s20+$0x6920]  }
0x83: {  	s19 =	spop (v2sf);
	v26 =	vld [tilespmem:s20+$0x6930];
	s22 =	sadd.s32 $0x0, s8  }
0x84: {  	s30 =	spop (v2sf);
	v27 =	vld [tilespmem:s22+$0x6980]  }
0x85: {  	s23 =	sand.u32 $0x1, s18;
	s31 =	spop (v2sf);
	v28 =	vld [tilespmem:s22+$0x6990]  }
0x86: {  	s5 =	sshll.u32 s23, $0x6;
	v29 =	vld [tilespmem:s22+$0x69A0];
	s31 =	sand.u32 $0x1, s31  }
0x87: {  	v30 =	vld [tilespmem:s22+$0x69B0];
	s5 =	sadd.s32 $0x0, s5;
	s31 =	sshll.u32 s31, $0x6  }
0x88: {  	v35 =	vld [tilespmem:s5+$0x6A00];
	s31 =	sadd.s32 $0x0, s31  }
0x89: {  	v15 =	vld [tilespmem:s31+$0x6800]  }
0x8a: {  	v16 =	vld [tilespmem:s31+$0x6810]  }
0x8b: {  	v17 =	vld [tilespmem:s31+$0x6820]  }
0x8c: {  	v18 =	vld [tilespmem:s31+$0x6830]  }
0x8d: {  	s24 =	sand.u32 $0x1, s19;
	v14 =	vld [tilespmem:s5+$0x6A10]  }
0x8e: {  	s8 =	sshll.u32 s24, $0x6;
	v13 =	vld [tilespmem:s5+$0x6A20]  }
0x8f: {  	s8 =	sadd.s32 $0x0, s8;
	v12 =	vld [tilespmem:s5+$0x6A30];
	v46 =	vmul.f32 v0, v31;
	v32 =	vmul.f32 v3, v32  }
0x90: {  	v10 =	vld [tilespmem:s8+$0x6A80];
	v4 =	vmul.f32 v15, v4;
	v6 =	vmul.f32 v17, v33  }
0x91: {  	v8 =	vld [tilespmem:s8+$0x6A90];
	s31 =	sand.u32 $0x1, s30;
	v32 =	vadd.f32 v46, v32;
	v5 =	vmul.f32 v16, v5;
	v36 =	vmul.f32 v18, v34  }
0x92: {  	v11 =	vld [tilespmem:s8+$0x6AA0];
	s5 =	sshll.u32 s31, $0x6;
	v15 =	vmul.f32 v15, v33;
	v17 =	vmul.f32 v17, v55;
	v4 =	vadd.f32 v6, v4  }
0x93: {  	v9 =	vld [tilespmem:s8+$0x6AB0];
	s5 =	sadd.s32 $0x0, s5;
	[tilespmem:s16+$0x133B0] =	vst v32;
	v16 =	vmul.f32 v16, v34;
	v18 =	vmul.f32 v18, v37;
	v36 =	vadd.f32 v36, v5  }
0x94: {  	v58 =	vmul.f32 v19, v40;
	v7 =	vld [tilespmem:s5+$0x6B00];
	v15 =	vadd.f32 v17, v15;
	v17 =	vmul.f32 v21, v38;
	[tilespmem:s16+$0x13020] =	vst v4  }
0x95: {  	v60 =	vmul.f32 v20, v41;
	v6 =	vld [tilespmem:s5+$0x6B10];
	v16 =	vadd.f32 v18, v16;
	v18 =	vmul.f32 v22, v39;
	[tilespmem:s16+$0x13030] =	vst v36  }
0x96: {  	v19 =	vmul.f32 v19, v38;
	v5 =	vld [tilespmem:s5+$0x6B20];
	[tilespmem:s16+$0x13000] =	vst v15;
	v15 =	vmul.f32 v21, v42;
	v17 =	vadd.f32 v17, v58  }
0x97: {  	v20 =	vmul.f32 v20, v39;
	[tilespmem:s16+$0x13010] =	vst v16;
	v16 =	vmul.f32 v22, v43;
	v18 =	vadd.f32 v18, v60;
	v22 =	vld [tilespmem:s16+$0x5A0]  }
0x98: {  	v21 =	vld [tilespmem:s16+$0x590];
	v15 =	vadd.f32 v15, v19;
	[tilespmem:s16+$0x130A0] =	vst v17;
	v17 =	vmul.f32 v25, v44;
	v19 =	vmul.f32 v23, v47  }
0x99: {  	v4 =	vld [tilespmem:s5+$0x6B30];
	v16 =	vadd.f32 v16, v20;
	[tilespmem:s16+$0x130B0] =	vst v18;
	v18 =	vmul.f32 v26, v45;
	v20 =	vmul.f32 v24, v56  }
0x9a: {  	v23 =	vmul.f32 v23, v44;
	[tilespmem:s16+$0x13080] =	vst v15;
	v15 =	vmul.f32 v25, v57;
	v17 =	vadd.f32 v17, v19;
	v25 =	vld [tilespmem:s16+$0x5D0]  }
0x9b: {  	v19 =	vmul.f32 v24, v45;
	[tilespmem:s16+$0x13090] =	vst v16;
	v16 =	vmul.f32 v26, v59;
	v18 =	vadd.f32 v18, v20;
	v24 =	vld [tilespmem:s16+$0x600]  }
0x9c: {  	v20 =	vmul.f32 v27, v22;
	v15 =	vadd.f32 v15, v23;
	[tilespmem:s16+$0x13120] =	vst v17;
	v17 =	vmul.f32 v29, v61;
	v23 =	vld [tilespmem:s16+$0x610]  }
0x9d: {  	v26 =	vld [tilespmem:s16+$0x620];
	v22 =	vmul.f32 v28, v62;
	v16 =	vadd.f32 v16, v19;
	[tilespmem:s16+$0x13130] =	vst v18;
	v18 =	vmul.f32 v30, v21  }
0x9e: {  	v27 =	vmul.f32 v27, v61;
	v19 =	vld [tilespmem:s16+$0x630];
	[tilespmem:s16+$0x13100] =	vst v15;
	v15 =	vmul.f32 v29, v63;
	v17 =	vadd.f32 v17, v20  }
0x9f: {  	v28 =	vmul.f32 v28, v21;
	v21 =	vld [tilespmem:s16+$0x640];
	[tilespmem:s16+$0x13110] =	vst v16;
	v16 =	vadd.f32 v18, v22;
	v25 =	vmul.f32 v30, v25  }
0xa0: {  	v3 =	vmul.f32 v3, v31;
	v20 =	vld [tilespmem:s16+$0x650];
	v18 =	vmul.f32 v35, v24;
	v15 =	vadd.f32 v15, v27;
	[tilespmem:s16+$0x131A0] =	vst v17  }
0xa1: {  	v22 =	vmul.f32 v13, v24;
	[tilespmem:s16+$0x131B0] =	vst v16;
	v17 =	vld [tilespmem:s16+$0x680];
	v16 =	vmul.f32 v14, v23;
	v24 =	vadd.f32 v25, v28  }
0xa2: {  	s18 =	simm.s32 $0x0;
	s19 =	simm.s32 $0x0;
	s5 =	simm.s32 $0xC;
	v23 =	vmul.f32 v12, v23;
	v25 =	vmul.f32 v35, v26;
	[tilespmem:s16+$0x13180] =	vst v15;
	v15 =	vld [tilespmem:s16+$0x690]  }
.LBB2_3:
0xa3: {  	v26 =	vld [tilespmem:s5+$0x3];
	[tilespmem:s16+$0x13190] =	vst v24;
	v14 =	vmul.f32 v14, v19  }
0xa4: {  	s19 =	sadd.s32 $0x8, s19;
	v19 =	vld [tilespmem:s5+$0xFFFFFFFD];
	v13 =	vmul.f32 v13, v21;
	v21 =	vadd.f32 v22, v25  }
0xa5: {  	p1 =	slt.u32 s19, $0xC0;
	v22 =	vld [tilespmem:s5+$0xFFFFFFFE];
	v12 =	vmul.f32 v12, v20;
	v14 =	vadd.f32 v23, v14  }
0xa6: {  	v20 =	vld [tilespmem:s5+$0xFFFFFFFF];
	v13 =	vadd.f32 v13, v18;
	[tilespmem:s16+$0x13220] =	vst v21;
	v18 =	vmul.f32 v10, v17;
	v17 =	vmul.f32 v11, v17  }
0xa7: {  	v21 =	vld [tilespmem:s5+$0x0];
	v12 =	vadd.f32 v12, v16;
	[tilespmem:s16+$0x13230] =	vst v14;
	v14 =	vmul.f32 v8, v15;
	v15 =	vmul.f32 v9, v15  }
0xa8: {  	v16 =	vld [tilespmem:s5+$0x1];
	(v2sf) =	vpush v26, $0x0;
	[tilespmem:s16+$0x13200] =	vst v13  }
0xa9: {  	v13 =	vld [tilespmem:s5+$0x2];
	(v2sf) =	vpush v19, $0x0;
	[tilespmem:s16+$0x13210] =	vst v12  }
0xaa: {  	v12 =	vld [tilespmem:s5+$0xFFFFFFFC];
	(v2sf) =	vpush v22, $0x0  }
0xab: {  	(v2sf) =	vpush v20, $0x0;
	v19 =	vld [tilespmem:s16+$0x6A0]  }
0xac: {  	(v2sf) =	vpush v21, $0x0;
	v20 =	vld [tilespmem:s16+$0x6B0]  }
0xad: {  	(v2sf) =	vpush v16, $0x0;
	v16 =	vld [tilespmem:s16+$0x6C0]  }
0xae: {  	(v2sf) =	vpush v13, $0x0;
	v13 =	vld [tilespmem:s16+$0x6D0]  }
0xaf: {  	(v2sf) =	vpush v12, $0x0;
	v12 =	vld [tilespmem:s16+$0x700]  }
0xb0: {  	v10 =	vmul.f32 v10, v19;
	v19 =	vld [tilespmem:s16+$0x710]  }
0xb1: {  	v8 =	vmul.f32 v8, v20;
	v20 =	vld [tilespmem:s16+$0x720]  }
0xb2: {  	v11 =	vmul.f32 v11, v16;
	v10 =	vadd.f32 v17, v10;
	v16 =	vld [tilespmem:s16+$0x730]  }
0xb3: {  	v9 =	vmul.f32 v9, v13;
	v8 =	vadd.f32 v15, v8;
	v13 =	vld [tilespmem:s16+$0x740]  }
0xb4: {  	v11 =	vadd.f32 v11, v18;
	[tilespmem:s16+$0x132A0] =	vst v10;
	v10 =	vld [tilespmem:s16+$0x750];
	v15 =	vmul.f32 v7, v12;
	v12 =	vmul.f32 v5, v12  }
0xb5: {  	v9 =	vadd.f32 v9, v14;
	[tilespmem:s16+$0x132B0] =	vst v8;
	v8 =	vmul.f32 v6, v19;
	v14 =	vmul.f32 v4, v19;
	v17 =	vld [tilespmem:s16+$0x780]  }
0xb6: {  	[tilespmem:s16+$0x13280] =	vst v11;
	v7 =	vmul.f32 v7, v20;
	v11 =	vld [tilespmem:s16+$0x7A0]  }
0xb7: {  	s18 =	sadd.s32 $0x1000, s18;
	s10 =	spop (v2sf);
	[tilespmem:s16+$0x13290] =	vst v9;
	v6 =	vmul.f32 v6, v16;
	v9 =	vld [tilespmem:s16+$0x7C0]  }
0xb8: {  	s8 =	sshra.s32 s18, $0x2;
	s10 =	sand.u32 $0x1, s10;
	s30 =	spop (v2sf);
	v5 =	vmul.f32 v5, v13;
	v7 =	vadd.f32 v12, v7;
	v12 =	vld [tilespmem:s16+$0x7D0]  }
0xb9: {  	s31 =	sand.u32 $0x1, s30;
	v13 =	vld [tilespmem:s8+$0x790];
	s10 =	sshll.u32 s10, $0x6;
	s30 =	spop (v2sf);
	v4 =	vmul.f32 v4, v10;
	v6 =	vadd.f32 v14, v6  }
0xba: {  	s0 =	sand.u32 $0x1, s30;
	v10 =	vld [tilespmem:s8+$0x7B0];
	s30 =	sadd.s32 s8, s10;
	s10 =	spop (v2sf);
	v5 =	vadd.f32 v5, v15;
	[tilespmem:s16+$0x13320] =	vst v7;
	v7 =	vmul.f32 v2, v17;
	v14 =	vmul.f32 v1, v17  }
0xbb: {  	s31 =	sshll.u32 s31, $0x6;
	s10 =	sand.u32 $0x1, s10;
	v15 =	vld [tilespmem:s30+$0x6B90];
	s20 =	spop (v2sf);
	v4 =	vadd.f32 v4, v8;
	[tilespmem:s16+$0x13330] =	vst v6;
	v2 =	vmul.f32 v2, v11  }
0xbc: {  	s0 =	sshll.u32 s0, $0x6;
	s20 =	sand.u32 $0x1, s20;
	v6 =	vld [tilespmem:s30+$0x6BB0];
	s21 =	spop (v2sf);
	[tilespmem:s16+$0x13300] =	vst v5;
	v1 =	vmul.f32 v1, v9  }
0xbd: {  	s10 =	sshll.u32 s10, $0x6;
	v5 =	vld [tilespmem:s8+$0x400];
	s21 =	sand.u32 $0x1, s21;
	s22 =	spop (v2sf);
	[tilespmem:s16+$0x13310] =	vst v4;
	v0 =	vmul.f32 v0, v12;
	v2 =	vadd.f32 v14, v2  }
0xbe: {  	s20 =	sshll.u32 s20, $0x6;
	v4 =	vld [tilespmem:s8+$0x410];
	s22 =	sand.u32 $0x1, s22;
	s23 =	spop (v2sf);
	v1 =	vadd.f32 v1, v7  }
0xbf: {  	s21 =	sshll.u32 s21, $0x6;
	v7 =	vld [tilespmem:s8+$0x420];
	s23 =	sand.u32 $0x1, s23;
	s22 =	sshll.u32 s22, $0x6;
	v9 =	vadd.f32 v0, v3;
	[tilespmem:s16+$0x133A0] =	vst v2  }
0xc0: {  	s31 =	sadd.s32 s8, s31;
	s0 =	sadd.s32 s8, s0;
	v8 =	vld [tilespmem:s8+$0x430];
	s23 =	sshll.u32 s23, $0x6;
	v3 =	vmul.f32 v15, v13;
	[tilespmem:s16+$0x13380] =	vst v1  }
0xc1: {  	s24 =	sadd.s32 s8, s10;
	s20 =	sadd.s32 s8, s20;
	v2 =	vmul.f32 v15, v10;
	s23 =	sadd.s32 s8, s23;
	v16 =	vld [tilespmem:s31+$0x6880];
	v1 =	vmul.f32 v6, v13;
	[tilespmem:s16+$0x13390] =	vst v9;
	v0 =	vmov v6  }
0xc2: {  	s21 =	sadd.s32 s8, s21;
	s10 =	sadd.s32 s8, s22;
	s16 =	smov.u32 s8;
	v6 =	vld [tilespmem:s23+$0x6800]  }
0xc3: {  	v9 =	vld [tilespmem:s23+$0x6810];
	v10 =	vadd.f32 v1, v2  }
0xc4: {  	v2 =	vld [tilespmem:s30+$0x6B80]  }
0xc5: {  	v1 =	vld [tilespmem:s30+$0x6BA0];
	[tilespmem:s16+$0x133B0] =	vst v10  }
0xc6: {  	v17 =	vld [tilespmem:s23+$0x6820]  }
0xc7: {  	v18 =	vld [tilespmem:s23+$0x6830];
	v19 =	vmul.f32 v6, v5;
	v6 =	vmul.f32 v6, v7  }
0xc8: {  	v20 =	vmul.f32 v9, v4;
	v7 =	vmul.f32 v9, v8;
	v21 =	vld [tilespmem:s31+$0x6890]  }
0xc9: {  	v22 =	vld [tilespmem:s31+$0x68A0]  }
0xca: {  	v23 =	vld [tilespmem:s31+$0x68B0]  }
0xcb: {  	v5 =	vmul.f32 v17, v5;
	v24 =	vld [tilespmem:s0+$0x6900]  }
0xcc: {  	v4 =	vmul.f32 v18, v4;
	v25 =	vld [tilespmem:s0+$0x6910]  }
0xcd: {  	v5 =	vadd.f32 v5, v6;
	v26 =	vld [tilespmem:s0+$0x6920]  }
0xce: {  	v4 =	vadd.f32 v4, v7;
	v27 =	vld [tilespmem:s0+$0x6930]  }
0xcf: {  	[tilespmem:s16+$0x13020] =	vst v5;
	v28 =	vld [tilespmem:s24+$0x6980]  }
0xd0: {  	[tilespmem:s16+$0x13030] =	vst v4;
	v29 =	vld [tilespmem:s24+$0x6990]  }
0xd1: {  	v30 =	vld [tilespmem:s24+$0x69A0]  }
0xd2: {  	v31 =	vld [tilespmem:s24+$0x69B0]  }
0xd3: {  	v15 =	vld [tilespmem:s20+$0x6A00]  }
0xd4: {  	v14 =	vld [tilespmem:s20+$0x6A10]  }
0xd5: {  	v13 =	vld [tilespmem:s20+$0x6A20]  }
0xd6: {  	v12 =	vld [tilespmem:s20+$0x6A30]  }
0xd7: {  	v10 =	vld [tilespmem:s21+$0x6A80]  }
0xd8: {  	v8 =	vld [tilespmem:s21+$0x6A90]  }
0xd9: {  	v11 =	vld [tilespmem:s21+$0x6AA0]  }
0xda: {  	v9 =	vld [tilespmem:s21+$0x6AB0]  }
0xdb: {  	v7 =	vld [tilespmem:s10+$0x6B00]  }
0xdc: {  	v6 =	vld [tilespmem:s10+$0x6B10]  }
0xdd: {  	v5 =	vld [tilespmem:s10+$0x6B20]  }
0xde: {  	v4 =	vld [tilespmem:s10+$0x6B30]  }
0xdf: {  	v32 =	vld [tilespmem:s16+$0x440]  }
0xe0: {  	v33 =	vld [tilespmem:s16+$0x450]  }
0xe1: {  	v34 =	vld [tilespmem:s16+$0x480]  }
0xe2: {  	v35 =	vld [tilespmem:s16+$0x490]  }
0xe3: {  	v36 =	vld [tilespmem:s16+$0x4A0]  }
0xe4: {  	v17 =	vmul.f32 v17, v32;
	v32 =	vld [tilespmem:s16+$0x4B0]  }
0xe5: {  	v18 =	vmul.f32 v18, v33;
	v33 =	vld [tilespmem:s16+$0x4C0]  }
0xe6: {  	v17 =	vadd.f32 v17, v19;
	v19 =	vld [tilespmem:s16+$0x4D0];
	v37 =	vmul.f32 v16, v34;
	v34 =	vmul.f32 v22, v34  }
0xe7: {  	v18 =	vadd.f32 v18, v20;
	v20 =	vmul.f32 v21, v35;
	v35 =	vmul.f32 v23, v35;
	v38 =	vld [tilespmem:s16+$0x500]  }
0xe8: {  	[tilespmem:s16+$0x13000] =	vst v17;
	v16 =	vmul.f32 v16, v36;
	v17 =	vld [tilespmem:s16+$0x510]  }
0xe9: {  	[tilespmem:s16+$0x13010] =	vst v18;
	v18 =	vmul.f32 v21, v32;
	v21 =	vld [tilespmem:s16+$0x520]  }
0xea: {  	v22 =	vmul.f32 v22, v33;
	v16 =	vadd.f32 v34, v16;
	v32 =	vld [tilespmem:s16+$0x530]  }
0xeb: {  	v19 =	vmul.f32 v23, v19;
	v18 =	vadd.f32 v35, v18;
	v23 =	vld [tilespmem:s16+$0x540]  }
0xec: {  	v22 =	vadd.f32 v22, v37;
	[tilespmem:s16+$0x130A0] =	vst v16;
	v16 =	vld [tilespmem:s16+$0x550];
	v33 =	vmul.f32 v24, v38;
	v34 =	vmul.f32 v26, v38  }
0xed: {  	v19 =	vadd.f32 v19, v20;
	[tilespmem:s16+$0x130B0] =	vst v18;
	v18 =	vmul.f32 v25, v17;
	v17 =	vmul.f32 v27, v17;
	v20 =	vld [tilespmem:s16+$0x580]  }
0xee: {  	[tilespmem:s16+$0x13080] =	vst v22;
	v21 =	vmul.f32 v24, v21;
	v22 =	vld [tilespmem:s16+$0x590]  }
0xef: {  	[tilespmem:s16+$0x13090] =	vst v19;
	v19 =	vmul.f32 v25, v32;
	v24 =	vld [tilespmem:s16+$0x5A0]  }
0xf0: {  	v23 =	vmul.f32 v26, v23;
	v21 =	vadd.f32 v34, v21;
	v25 =	vld [tilespmem:s16+$0x5B0]  }
0xf1: {  	v16 =	vmul.f32 v27, v16;
	v17 =	vadd.f32 v17, v19;
	v19 =	vld [tilespmem:s16+$0x5C0]  }
0xf2: {  	v23 =	vadd.f32 v23, v33;
	[tilespmem:s16+$0x13120] =	vst v21;
	v21 =	vld [tilespmem:s16+$0x5D0];
	v26 =	vmul.f32 v28, v20;
	v20 =	vmul.f32 v30, v20  }
0xf3: {  	v16 =	vadd.f32 v16, v18;
	[tilespmem:s16+$0x13130] =	vst v17;
	v17 =	vmul.f32 v29, v22;
	v18 =	vmul.f32 v31, v22;
	v22 =	vld [tilespmem:s16+$0x600]  }
0xf4: {  	[tilespmem:s16+$0x13100] =	vst v23;
	v23 =	vmul.f32 v28, v24;
	v27 =	vld [tilespmem:s16+$0x610]  }
0xf5: {  	[tilespmem:s16+$0x13110] =	vst v16;
	v16 =	vmul.f32 v29, v25;
	v25 =	vld [tilespmem:s16+$0x620]  }
.Ltmp0:
0xf6: {  	v24 =	vmul.f32 v30, v19;
	v20 =	vadd.f32 v20, v23;
	v19 =	vld [tilespmem:s16+$0x630];
	(pc) =	sbr.rel @p1 .LBB2_3-.Ltmp0, $4  }
0xf7: {  	v23 =	vmul.f32 v31, v21;
	v16 =	vadd.f32 v18, v16;
	v21 =	vld [tilespmem:s16+$0x640]  }
0xf8: {  	v26 =	vadd.f32 v24, v26;
	[tilespmem:s16+$0x131A0] =	vst v20;
	v20 =	vld [tilespmem:s16+$0x650];
	v18 =	vmul.f32 v15, v22;
	v22 =	vmul.f32 v13, v22  }
0xf9: {  	v24 =	vadd.f32 v23, v17;
	[tilespmem:s16+$0x131B0] =	vst v16;
	v16 =	vmul.f32 v14, v27;
	v23 =	vmul.f32 v12, v27;
	v17 =	vld [tilespmem:s16+$0x680]  }
0xfa: {  	s5 =	sadd.s32 $0x8, s5;
	[tilespmem:s16+$0x13180] =	vst v26;
	v25 =	vmul.f32 v15, v25;
	v15 =	vld [tilespmem:s16+$0x690]  }
0xfb: {  	v26 =	vld [tilespmem:s16+$0x6A0]  }
0xfc: {  	v27 =	vld [tilespmem:s16+$0x6B0]  }
0xfd: {  	v28 =	vld [tilespmem:s16+$0x6C0]  }
0xfe: {  	v29 =	vld [tilespmem:s16+$0x6D0]  }
0xff: {  	v30 =	vld [tilespmem:s16+$0x700]  }
0x100: {  	v14 =	vmul.f32 v14, v19;
	v19 =	vld [tilespmem:s16+$0x710]  }
0x101: {  	[tilespmem:s16+$0x13190] =	vst v24;
	v24 =	vld [tilespmem:s16+$0x750];
	v13 =	vmul.f32 v13, v21;
	v21 =	vadd.f32 v22, v25  }
0x102: {  	v22 =	vld [tilespmem:s16+$0x720];
	v12 =	vmul.f32 v12, v20;
	v14 =	vadd.f32 v23, v14  }
0x103: {  	v20 =	vld [tilespmem:s16+$0x730];
	v13 =	vadd.f32 v13, v18;
	[tilespmem:s16+$0x13220] =	vst v21;
	v18 =	vmul.f32 v11, v17;
	v21 =	vmul.f32 v10, v26  }
0x104: {  	v23 =	vld [tilespmem:s16+$0x740];
	v12 =	vadd.f32 v12, v16;
	[tilespmem:s16+$0x13230] =	vst v14;
	v14 =	vmul.f32 v9, v15;
	v16 =	vmul.f32 v8, v27  }
0x105: {  	v10 =	vmul.f32 v10, v17;
	[tilespmem:s16+$0x13200] =	vst v13;
	v11 =	vmul.f32 v11, v28;
	v17 =	vld [tilespmem:s16+$0x780];
	v13 =	vadd.f32 v18, v21  }
0x106: {  	v8 =	vmul.f32 v8, v15;
	v9 =	vmul.f32 v9, v29;
	[tilespmem:s16+$0x13210] =	vst v12;
	v12 =	vadd.f32 v14, v16;
	v14 =	vld [tilespmem:s16+$0x7A0]  }
0x107: {  	v15 =	vld [tilespmem:s16+$0x7C0];
	v10 =	vadd.f32 v11, v10;
	v11 =	vmul.f32 v5, v30;
	[tilespmem:s16+$0x132A0] =	vst v13;
	v13 =	vmul.f32 v7, v22  }
0x108: {  	v8 =	vadd.f32 v9, v8;
	v9 =	vmul.f32 v4, v19;
	v16 =	vld [tilespmem:s16+$0x7D0];
	[tilespmem:s16+$0x132B0] =	vst v12;
	v12 =	vmul.f32 v6, v20  }
0x109: {  	v5 =	vmul.f32 v5, v23;
	v7 =	vmul.f32 v7, v30;
	[tilespmem:s16+$0x13280] =	vst v10;
	v10 =	vadd.f32 v11, v13  }
0x10a: {  	v4 =	vmul.f32 v4, v24;
	v6 =	vmul.f32 v6, v19;
	[tilespmem:s16+$0x13290] =	vst v8;
	v8 =	vadd.f32 v9, v12  }
0x10b: {  	v5 =	vadd.f32 v5, v7;
	v7 =	vmul.f32 v1, v17;
	v9 =	vmul.f32 v2, v14;
	[tilespmem:s16+$0x13320] =	vst v10  }
0x10c: {  	v4 =	vadd.f32 v4, v6;
	v1 =	vmul.f32 v1, v15;
	v2 =	vmul.f32 v2, v17;
	[tilespmem:s16+$0x13330] =	vst v8  }
0x10d: {  	v0 =	vmul.f32 v0, v16;
	[tilespmem:s16+$0x13300] =	vst v5;
	v5 =	vadd.f32 v7, v9  }
0x10e: {  	s0 =	sadd.s32 s7, s15;
	[tilespmem:s16+$0x13310] =	vst v4;
	v1 =	vadd.f32 v1, v2  }
0x10f: {  	p1 =	seq.s32 s2, $0x3F;
	s0 =	smul.u32 $0xC80, s0;
	v0 =	vadd.f32 v0, v3;
	[tilespmem:s16+$0x133A0] =	vst v5  }
0x110: {  	s5 =	sadd.s32 @!p1 s15, s9;
	[tilespmem:s16+$0x13380] =	vst v1  }
0x111: {  	s5 =	smul.u32 @!p1 $0x19, s5;
	s0 =	sadd.s32 s6, s0;
	[tilespmem:s16+$0x13390] =	vst v0  }
0x112: {  	[hbm4b:s0+s3] =	stream.linear.scatter [tilespmem:s26], [sflag:$0x3], $0x6400, $0x38;
	[tilespmem:$0x1F800] =	vst v63  }
0x113: {  	s0 =	sadd.s32 @!p1 s1, s5;
	s5 =	simm.s32 @!p1 $0x0  }
0x114: {  	[tilespmem:s5], [sflag:$0x5] =	stream.linear.gather @!p1 [hbm4b:s0+s5], $0xC8, $0x38;
	[tilespmem:$0x1F800] =	vst v63  }
0x115: {  	s0 =	simm.s32 @!p1 $0x5  }
0x116: {  	_ =	swait.ge @!p1 [sflag:s0], $0xC8  }
0x117: {  	[sflag:s0] =	ssyncset.done @!p1 $0x0  }
0x118: {  	[sflag:s0] =	ssyncadd.s32 @!p1 $0xFFFFFF38  }
0x119: {  	v0 =	vld @!p1 [tilespmem:$0x0]  }
0x11a: {  	v1 =	vld @!p1 [tilespmem:$0x10]  }
0x11b: {  	v2 =	vld @!p1 [tilespmem:$0x20]  }
0x11c: {  	v3 =	vld @!p1 [tilespmem:$0x30]  }
0x11d: {  	v4 =	vld @!p1 [tilespmem:$0x40]  }
0x11e: {  	v5 =	vld @!p1 [tilespmem:$0x50];
	v0 =	vshrl.u32 @!p1 v0, $0x1  }
0x11f: {  	[tilespmem:$0x200] =	vst @!p1 v0;
	v0 =	vshrl.u32 @!p1 v1, $0x1;
	v1 =	vld @!p1 [tilespmem:$0x60]  }
0x120: {  	[tilespmem:$0x210] =	vst @!p1 v0;
	v0 =	vshrl.u32 @!p1 v2, $0x1;
	v2 =	vld @!p1 [tilespmem:$0x70]  }
0x121: {  	[tilespmem:$0x220] =	vst @!p1 v0;
	v0 =	vshrl.u32 @!p1 v3, $0x1;
	v3 =	vld @!p1 [tilespmem:$0x80]  }
0x122: {  	[tilespmem:$0x230] =	vst @!p1 v0;
	v0 =	vshrl.u32 @!p1 v4, $0x1;
	v4 =	vld @!p1 [tilespmem:$0x90]  }
0x123: {  	[tilespmem:$0x240] =	vst @!p1 v0;
	v0 =	vshrl.u32 @!p1 v5, $0x1;
	v5 =	vld @!p1 [tilespmem:$0xA0]  }
0x124: {  	[tilespmem:$0x250] =	vst @!p1 v0;
	v0 =	vshrl.u32 @!p1 v1, $0x1;
	v1 =	vld @!p1 [tilespmem:$0xB0]  }
0x125: {  	[tilespmem:$0x260] =	vst @!p1 v0;
	v0 =	vshrl.u32 @!p1 v2, $0x1;
	v2 =	vld @!p1 [tilespmem:$0xB8]  }
0x126: {  	[tilespmem:$0x270] =	vst @!p1 v0;
	v0 =	vshrl.u32 @!p1 v3, $0x1  }
0x127: {  	[tilespmem:$0x280] =	vst @!p1 v0;
	v0 =	vshrl.u32 @!p1 v4, $0x1  }
0x128: {  	[tilespmem:$0x290] =	vst @!p1 v0;
	v0 =	vshrl.u32 @!p1 v5, $0x1  }
0x129: {  	[tilespmem:$0x2A0] =	vst @!p1 v0;
	v0 =	vshrl.u32 @!p1 v1, $0x1  }
0x12a: {  	[tilespmem:$0x2B0] =	vst @!p1 v0;
	v0 =	vshrl.u32 @!p1 v2, $0x1  }
0x12b: {  	s8 =	simm.s32 @!p1 $0x6800;
	s5 =	simm.s32 @!p1 $0x200;
	s0 =	simm.s32 @!p1 $0x68;
	[tilespmem:$0x2B8] =	vst @!p1 v0  }
0x12c: {  	[tilespmem:s8], [sflag:$0x1] =	stream.indirect.gather @!p1 [hbm4b:s4+s0], $0x80, s5, s0, $0xb8;
	[tilespmem:$0x1F800] =	vst v63  }
0x12d: {  	s0 =	simm.s32 @!p1 $0x60;
	s5 =	simm.s32 @!p1 $0x268;
	s8 =	simm.s32 @!p1 $0x9C00  }
0x12e: {  	[tilespmem:s8], [sflag:$0x1] =	stream.indirect.gather @!p1 [hbm4b:s4+s0], $0x80, s5, s0, $0xb8;
	[tilespmem:$0x1F800] =	vst v63  }
0x12f: {  	_ =	swait.ge [sflag:s28], $0x3400  }
0x130: {  	[sflag:s28] =	ssyncset.done $0x0  }
0x131: {  	[sflag:s28] =	ssyncadd.s32 $0xFFFFCC00  }
0x132: {  	_ =	swait.ge [sflag:s28], $0x3000  }
0x133: {  	[sflag:s28] =	ssyncset.done $0x0  }
0x134: {  	s0 =	simm.s32 @!p0 $0x4;
	[sflag:s28] =	ssyncadd.s32 $0xFFFFD000  }
0x135: {  	_ =	swait.ge @!p0 [sflag:s0], $0x6400  }
0x136: {  	[sflag:s0] =	ssyncset.done @!p0 $0x0  }
0x137: {  	s31 =	simm.s32 $0x104;
	[sflag:s0] =	ssyncadd.s32 @!p0 $0xFFFF9C00  }
0x138: {  	v0 =	vld [tilespmem:s31+$0x3]  }
0x139: {  	v1 =	vld [tilespmem:s31+$0xFFFFFFFD]  }
0x13a: {  	v2 =	vld [tilespmem:s31+$0xFFFFFFFE]  }
0x13b: {  	v3 =	vld [tilespmem:s31+$0xFFFFFFFF]  }
0x13c: {  	v4 =	vld [tilespmem:s31+$0x0]  }
0x13d: {  	s15 =	simm.s32 $0x0;
	v5 =	vld [tilespmem:s31+$0x1]  }
0x13e: {  	v16 =	vld [tilespmem:s15+$0x7B0]  }
0x13f: {  	v17 =	vld [tilespmem:s15+$0x400]  }
0x140: {  	v18 =	vld [tilespmem:s15+$0x410];
	(v2sf) =	vpush v0, $0x0  }
0x141: {  	v59 =	vld [tilespmem:s15+$0x440]  }
0x142: {  	v37 =	vld [tilespmem:s15+$0x450]  }
0x143: {  	v38 =	vld [tilespmem:s15+$0x480]  }
0x144: {  	v39 =	vld [tilespmem:s15+$0x490];
	(v2sf) =	vpush v1, $0x0  }
0x145: {  	v40 =	vld [tilespmem:s15+$0x4A0]  }
0x146: {  	v41 =	vld [tilespmem:s15+$0x4B0]  }
0x147: {  	v42 =	vld [tilespmem:s15+$0x4C0]  }
0x148: {  	v43 =	vld [tilespmem:s15+$0x4D0];
	(v2sf) =	vpush v2, $0x0  }
0x149: {  	v44 =	vld [tilespmem:s15+$0x500]  }
0x14a: {  	v45 =	vld [tilespmem:s15+$0x510]  }
0x14b: {  	v47 =	vld [tilespmem:s15+$0x520]  }
0x14c: {  	v61 =	vld [tilespmem:s15+$0x550];
	(v2sf) =	vpush v3, $0x0  }
0x14d: {  	v62 =	vld [tilespmem:s15+$0x580]  }
0x14e: {  	v0 =	vld [tilespmem:s31+$0x2]  }
0x14f: {  	v1 =	vld [tilespmem:s31+$0xFFFFFFFC];
	s5 =	spop (v2sf)  }
0x150: {  	v3 =	vld [tilespmem:s15+$0x790];
	(v2sf) =	vpush v4, $0x0;
	s0 =	sand.u32 $0x1, s5  }
0x151: {  	v4 =	vld [tilespmem:s15+$0x420];
	s0 =	sshll.u32 s0, $0x6  }
0x152: {  	(v2sf) =	vpush v5, $0x0;
	v5 =	vld [tilespmem:s15+$0x430];
	s0 =	sadd.s32 $0x0, s0  }
0x153: {  	(v2sf) =	vpush v0, $0x0;
	s8 =	spop (v2sf);
	v15 =	vld [tilespmem:s0+$0xCF90]  }
0x154: {  	(v2sf) =	vpush v1, $0x0;
	s5 =	sand.u32 $0x1, s8;
	v0 =	vld [tilespmem:s0+$0xCFB0]  }
0x155: {  	s5 =	sshll.u32 s5, $0x6;
	v2 =	vld [tilespmem:s0+$0xCF80]  }
0x156: {  	s5 =	sadd.s32 $0x0, s5;
	v1 =	vld [tilespmem:s0+$0xCFA0]  }
0x157: {  	s16 =	spop (v2sf);
	v19 =	vld [tilespmem:s5+$0xCC80]  }
0x158: {  	s22 =	sand.u32 $0x1, s16;
	v24 =	vld [tilespmem:s5+$0xCC90]  }
0x159: {  	s0 =	sshll.u32 s22, $0x6;
	v25 =	vld [tilespmem:s5+$0xCCA0]  }
0x15a: {  	s0 =	sadd.s32 $0x0, s0;
	v26 =	vld [tilespmem:s5+$0xCCB0]  }
0x15b: {  	s10 =	spop (v2sf);
	v27 =	vld [tilespmem:s0+$0xCD00]  }
0x15c: {  	s23 =	sand.u32 $0x1, s10;
	v56 =	vld [tilespmem:s0+$0xCD10]  }
0x15d: {  	s5 =	sshll.u32 s23, $0x6;
	v57 =	vld [tilespmem:s0+$0xCD20]  }
0x15e: {  	s5 =	sadd.s32 $0x0, s5;
	v58 =	vld [tilespmem:s0+$0xCD30]  }
0x15f: {  	s21 =	spop (v2sf);
	v31 =	vld [tilespmem:s5+$0xCD80]  }
0x160: {  	s24 =	sand.u32 $0x1, s21;
	v32 =	vld [tilespmem:s5+$0xCD90]  }
0x161: {  	s18 =	spop (v2sf);
	s0 =	sshll.u32 s24, $0x6;
	v33 =	vld [tilespmem:s5+$0xCDA0]  }
0x162: {  	s19 =	spop (v2sf);
	s0 =	sadd.s32 $0x0, s0;
	v34 =	vld [tilespmem:s5+$0xCDB0]  }
0x163: {  	s20 =	spop (v2sf);
	v35 =	vld [tilespmem:s0+$0xCE00]  }
0x164: {  	s20 =	sand.u32 $0x1, s20;
	v14 =	vld [tilespmem:s0+$0xCE10]  }
0x165: {  	v13 =	vld [tilespmem:s0+$0xCE20];
	s20 =	sshll.u32 s20, $0x6  }
0x166: {  	v12 =	vld [tilespmem:s0+$0xCE30];
	s20 =	sadd.s32 $0x0, s20  }
0x167: {  	v20 =	vld [tilespmem:s20+$0xCC00]  }
0x168: {  	s30 =	sand.u32 $0x1, s18;
	v21 =	vld [tilespmem:s20+$0xCC10]  }
0x169: {  	s5 =	sshll.u32 s30, $0x6;
	v22 =	vld [tilespmem:s20+$0xCC20]  }
0x16a: {  	s5 =	sadd.s32 $0x0, s5;
	v23 =	vld [tilespmem:s20+$0xCC30]  }
0x16b: {  	v10 =	vld [tilespmem:s5+$0xCE80]  }
0x16c: {  	s31 =	sand.u32 $0x1, s19;
	v8 =	vld [tilespmem:s5+$0xCE90]  }
0x16d: {  	s0 =	sshll.u32 s31, $0x6;
	v11 =	vld [tilespmem:s5+$0xCEA0];
	v46 =	vmul.f32 v0, v3;
	v16 =	vmul.f32 v15, v16  }
0x16e: {  	s0 =	sadd.s32 $0x0, s0;
	v9 =	vld [tilespmem:s5+$0xCEB0];
	v4 =	vmul.f32 v20, v4;
	v6 =	vmul.f32 v22, v17  }
0x16f: {  	v7 =	vld [tilespmem:s0+$0xCF00];
	v5 =	vmul.f32 v21, v5;
	v36 =	vmul.f32 v23, v18  }
0x170: {  	v16 =	vadd.f32 v46, v16;
	v17 =	vmul.f32 v20, v17;
	v20 =	vmul.f32 v22, v59;
	v22 =	vld [tilespmem:s15+$0x530]  }
0x171: {  	v18 =	vmul.f32 v21, v18;
	v21 =	vmul.f32 v23, v37;
	v23 =	vld [tilespmem:s15+$0x540];
	v4 =	vadd.f32 v6, v4  }
0x172: {  	v3 =	vmul.f32 v15, v3;
	[tilespmem:s15+$0x197B0] =	vst v16;
	v36 =	vadd.f32 v36, v5;
	v6 =	vld [tilespmem:s0+$0xCF10]  }
0x173: {  	v60 =	vmul.f32 v19, v40;
	v5 =	vld [tilespmem:s0+$0xCF20];
	v17 =	vadd.f32 v20, v17;
	v20 =	vmul.f32 v25, v38;
	[tilespmem:s15+$0x19420] =	vst v4  }
0x174: {  	v16 =	vadd.f32 v21, v18;
	v18 =	vmul.f32 v26, v39;
	v21 =	vmul.f32 v24, v41;
	[tilespmem:s15+$0x19430] =	vst v36;
	v4 =	vld [tilespmem:s0+$0xCF30]  }
0x175: {  	v19 =	vmul.f32 v19, v38;
	[tilespmem:s15+$0x19400] =	vst v17;
	v17 =	vmul.f32 v25, v42;
	v20 =	vadd.f32 v20, v60;
	v25 =	vld [tilespmem:s15+$0x590]  }
0x176: {  	v24 =	vmul.f32 v24, v39;
	[tilespmem:s15+$0x19410] =	vst v16;
	v16 =	vmul.f32 v26, v43;
	v18 =	vadd.f32 v18, v21;
	v21 =	vld [tilespmem:s15+$0x5A0]  }
0x177: {  	v26 =	vld [tilespmem:s15+$0x5B0];
	v17 =	vadd.f32 v17, v19;
	[tilespmem:s15+$0x194A0] =	vst v20;
	v19 =	vmul.f32 v57, v44;
	v20 =	vmul.f32 v27, v47  }
0x178: {  	v22 =	vmul.f32 v56, v22;
	v16 =	vadd.f32 v16, v24;
	[tilespmem:s15+$0x194B0] =	vst v18;
	v18 =	vmul.f32 v58, v45;
	v24 =	vld [tilespmem:s15+$0x5C0]  }
0x179: {  	v27 =	vmul.f32 v27, v44;
	[tilespmem:s15+$0x19480] =	vst v17;
	v17 =	vmul.f32 v57, v23;
	v19 =	vadd.f32 v19, v20;
	v20 =	vld [tilespmem:s15+$0x5D0]  }
0x17a: {  	v23 =	vmul.f32 v56, v45;
	[tilespmem:s15+$0x19490] =	vst v16;
	v16 =	vmul.f32 v58, v61;
	v18 =	vadd.f32 v18, v22;
	v22 =	vld [tilespmem:s15+$0x600]  }
0x17b: {  	v21 =	vmul.f32 v31, v21;
	v17 =	vadd.f32 v17, v27;
	[tilespmem:s15+$0x19520] =	vst v19;
	v19 =	vmul.f32 v33, v62;
	v27 =	vld [tilespmem:s15+$0x610]  }
0x17c: {  	v16 =	vadd.f32 v16, v23;
	[tilespmem:s15+$0x19530] =	vst v18;
	v18 =	vmul.f32 v34, v25;
	v23 =	vmul.f32 v32, v26;
	v26 =	vld [tilespmem:s15+$0x620]  }
0x17d: {  	v63 =	vmul.f32 v31, v62;
	[tilespmem:s15+$0x19500] =	vst v17;
	v17 =	vmul.f32 v33, v24;
	v24 =	vadd.f32 v19, v21;
	v19 =	vld [tilespmem:s15+$0x630]  }
0x17e: {  	v15 =	vmul.f32 v32, v25;
	[tilespmem:s15+$0x19510] =	vst v16;
	v16 =	vadd.f32 v18, v23;
	v21 =	vld [tilespmem:s15+$0x640];
	v23 =	vmul.f32 v34, v20  }
0x17f: {  	v20 =	vld [tilespmem:s15+$0x650];
	v18 =	vmul.f32 v35, v22;
	v25 =	vadd.f32 v17, v63;
	[tilespmem:s15+$0x195A0] =	vst v24  }
0x180: {  	v22 =	vmul.f32 v13, v22;
	[tilespmem:s15+$0x195B0] =	vst v16;
	v17 =	vld [tilespmem:s15+$0x680];
	v16 =	vmul.f32 v14, v27;
	v24 =	vadd.f32 v23, v15  }
0x181: {  	s16 =	simm.s32 $0x0;
	s18 =	simm.s32 $0x0;
	s5 =	simm.s32 $0x10C;
	v23 =	vmul.f32 v12, v27;
	v15 =	vld [tilespmem:s15+$0x690];
	[tilespmem:s15+$0x19580] =	vst v25;
	v25 =	vmul.f32 v35, v26  }
.LBB2_5:
0x182: {  	v26 =	vld [tilespmem:s5+$0x3];
	[tilespmem:s15+$0x19590] =	vst v24;
	v14 =	vmul.f32 v14, v19  }
0x183: {  	s18 =	sadd.s32 $0x8, s18;
	v19 =	vld [tilespmem:s5+$0xFFFFFFFD];
	v13 =	vmul.f32 v13, v21;
	v21 =	vadd.f32 v22, v25  }
0x184: {  	p0 =	slt.u32 s18, $0xC0;
	v22 =	vld [tilespmem:s5+$0xFFFFFFFE];
	v12 =	vmul.f32 v12, v20;
	v14 =	vadd.f32 v23, v14  }
0x185: {  	v20 =	vld [tilespmem:s5+$0xFFFFFFFF];
	v13 =	vadd.f32 v13, v18;
	[tilespmem:s15+$0x19620] =	vst v21;
	v18 =	vmul.f32 v10, v17;
	v17 =	vmul.f32 v11, v17  }
0x186: {  	v21 =	vld [tilespmem:s5+$0x0];
	v12 =	vadd.f32 v12, v16;
	[tilespmem:s15+$0x19630] =	vst v14;
	v14 =	vmul.f32 v8, v15;
	v15 =	vmul.f32 v9, v15  }
0x187: {  	v16 =	vld [tilespmem:s5+$0x1];
	(v2sf) =	vpush v26, $0x0;
	[tilespmem:s15+$0x19600] =	vst v13  }
0x188: {  	v13 =	vld [tilespmem:s5+$0x2];
	(v2sf) =	vpush v19, $0x0;
	[tilespmem:s15+$0x19610] =	vst v12  }
0x189: {  	v12 =	vld [tilespmem:s5+$0xFFFFFFFC];
	(v2sf) =	vpush v22, $0x0  }
0x18a: {  	(v2sf) =	vpush v20, $0x0;
	v19 =	vld [tilespmem:s15+$0x6A0]  }
0x18b: {  	(v2sf) =	vpush v21, $0x0;
	v20 =	vld [tilespmem:s15+$0x6B0]  }
0x18c: {  	(v2sf) =	vpush v16, $0x0;
	v16 =	vld [tilespmem:s15+$0x6C0]  }
0x18d: {  	(v2sf) =	vpush v13, $0x0;
	v13 =	vld [tilespmem:s15+$0x6D0]  }
0x18e: {  	(v2sf) =	vpush v12, $0x0;
	v12 =	vld [tilespmem:s15+$0x700]  }
0x18f: {  	v10 =	vmul.f32 v10, v19;
	v19 =	vld [tilespmem:s15+$0x710]  }
0x190: {  	v8 =	vmul.f32 v8, v20;
	v20 =	vld [tilespmem:s15+$0x720]  }
0x191: {  	v11 =	vmul.f32 v11, v16;
	v10 =	vadd.f32 v17, v10;
	v16 =	vld [tilespmem:s15+$0x730]  }
0x192: {  	v9 =	vmul.f32 v9, v13;
	v8 =	vadd.f32 v15, v8;
	v13 =	vld [tilespmem:s15+$0x740]  }
0x193: {  	v11 =	vadd.f32 v11, v18;
	[tilespmem:s15+$0x196A0] =	vst v10;
	v10 =	vld [tilespmem:s15+$0x750];
	v15 =	vmul.f32 v7, v12;
	v12 =	vmul.f32 v5, v12  }
0x194: {  	v9 =	vadd.f32 v9, v14;
	[tilespmem:s15+$0x196B0] =	vst v8;
	v8 =	vmul.f32 v6, v19;
	v14 =	vmul.f32 v4, v19;
	v17 =	vld [tilespmem:s15+$0x780]  }
0x195: {  	[tilespmem:s15+$0x19680] =	vst v11;
	v7 =	vmul.f32 v7, v20;
	v11 =	vld [tilespmem:s15+$0x7A0]  }
0x196: {  	s16 =	sadd.s32 $0x1000, s16;
	s0 =	spop (v2sf);
	[tilespmem:s15+$0x19690] =	vst v9;
	v6 =	vmul.f32 v6, v16;
	v9 =	vld [tilespmem:s15+$0x7C0]  }
0x197: {  	s8 =	sshra.s32 s16, $0x2;
	s0 =	sand.u32 $0x1, s0;
	s10 =	spop (v2sf);
	v5 =	vmul.f32 v5, v13;
	v7 =	vadd.f32 v12, v7;
	v12 =	vld [tilespmem:s15+$0x7D0]  }
0x198: {  	s10 =	sand.u32 $0x1, s10;
	v13 =	vld [tilespmem:s8+$0x790];
	s0 =	sshll.u32 s0, $0x6;
	s19 =	spop (v2sf);
	v4 =	vmul.f32 v4, v10;
	v6 =	vadd.f32 v14, v6  }
0x199: {  	s20 =	sand.u32 $0x1, s19;
	v10 =	vld [tilespmem:s8+$0x7B0];
	s19 =	sadd.s32 s8, s0;
	s0 =	spop (v2sf);
	v5 =	vadd.f32 v5, v15;
	[tilespmem:s15+$0x19720] =	vst v7;
	v7 =	vmul.f32 v2, v17;
	v14 =	vmul.f32 v1, v17  }
0x19a: {  	s10 =	sshll.u32 s10, $0x6;
	s0 =	sand.u32 $0x1, s0;
	v15 =	vld [tilespmem:s19+$0xCF90];
	s21 =	spop (v2sf);
	v4 =	vadd.f32 v4, v8;
	[tilespmem:s15+$0x19730] =	vst v6;
	v2 =	vmul.f32 v2, v11  }
0x19b: {  	s20 =	sshll.u32 s20, $0x6;
	s21 =	sand.u32 $0x1, s21;
	v6 =	vld [tilespmem:s19+$0xCFB0];
	s22 =	spop (v2sf);
	[tilespmem:s15+$0x19700] =	vst v5;
	v1 =	vmul.f32 v1, v9  }
0x19c: {  	s0 =	sshll.u32 s0, $0x6;
	v5 =	vld [tilespmem:s8+$0x400];
	s22 =	sand.u32 $0x1, s22;
	s23 =	spop (v2sf);
	[tilespmem:s15+$0x19710] =	vst v4;
	v0 =	vmul.f32 v0, v12;
	v2 =	vadd.f32 v14, v2  }
0x19d: {  	s21 =	sshll.u32 s21, $0x6;
	v4 =	vld [tilespmem:s8+$0x410];
	s23 =	sand.u32 $0x1, s23;
	s24 =	spop (v2sf);
	v1 =	vadd.f32 v1, v7  }
0x19e: {  	s22 =	sshll.u32 s22, $0x6;
	v7 =	vld [tilespmem:s8+$0x420];
	s24 =	sand.u32 $0x1, s24;
	s23 =	sshll.u32 s23, $0x6;
	v9 =	vadd.f32 v0, v3;
	[tilespmem:s15+$0x197A0] =	vst v2  }
0x19f: {  	s30 =	sadd.s32 s8, s10;
	s20 =	sadd.s32 s8, s20;
	v8 =	vld [tilespmem:s8+$0x430];
	s24 =	sshll.u32 s24, $0x6;
	v3 =	vmul.f32 v15, v13;
	[tilespmem:s15+$0x19780] =	vst v1  }
0x1a0: {  	s0 =	sadd.s32 s8, s0;
	s21 =	sadd.s32 s8, s21;
	v2 =	vmul.f32 v15, v10;
	s24 =	sadd.s32 s8, s24;
	v16 =	vld [tilespmem:s30+$0xCC80];
	v1 =	vmul.f32 v6, v13;
	[tilespmem:s15+$0x19790] =	vst v9;
	v0 =	vmov v6  }
0x1a1: {  	s22 =	sadd.s32 s8, s22;
	s10 =	sadd.s32 s8, s23;
	s15 =	smov.u32 s8;
	v6 =	vld [tilespmem:s24+$0xCC00]  }
0x1a2: {  	v9 =	vld [tilespmem:s24+$0xCC10];
	v10 =	vadd.f32 v1, v2  }
0x1a3: {  	v2 =	vld [tilespmem:s19+$0xCF80]  }
0x1a4: {  	v1 =	vld [tilespmem:s19+$0xCFA0];
	[tilespmem:s15+$0x197B0] =	vst v10  }
0x1a5: {  	v17 =	vld [tilespmem:s24+$0xCC20]  }
0x1a6: {  	v18 =	vld [tilespmem:s24+$0xCC30];
	v19 =	vmul.f32 v6, v5;
	v6 =	vmul.f32 v6, v7  }
0x1a7: {  	v20 =	vmul.f32 v9, v4;
	v7 =	vmul.f32 v9, v8;
	v21 =	vld [tilespmem:s30+$0xCC90]  }
0x1a8: {  	v22 =	vld [tilespmem:s30+$0xCCA0]  }
0x1a9: {  	v23 =	vld [tilespmem:s30+$0xCCB0]  }
0x1aa: {  	v5 =	vmul.f32 v17, v5;
	v24 =	vld [tilespmem:s20+$0xCD00]  }
0x1ab: {  	v4 =	vmul.f32 v18, v4;
	v25 =	vld [tilespmem:s20+$0xCD10]  }
0x1ac: {  	v5 =	vadd.f32 v5, v6;
	v26 =	vld [tilespmem:s20+$0xCD20]  }
0x1ad: {  	v4 =	vadd.f32 v4, v7;
	v27 =	vld [tilespmem:s20+$0xCD30]  }
0x1ae: {  	[tilespmem:s15+$0x19420] =	vst v5;
	v28 =	vld [tilespmem:s0+$0xCD80]  }
0x1af: {  	[tilespmem:s15+$0x19430] =	vst v4;
	v29 =	vld [tilespmem:s0+$0xCD90]  }
0x1b0: {  	v30 =	vld [tilespmem:s0+$0xCDA0]  }
0x1b1: {  	v31 =	vld [tilespmem:s0+$0xCDB0]  }
0x1b2: {  	v15 =	vld [tilespmem:s21+$0xCE00]  }
0x1b3: {  	v14 =	vld [tilespmem:s21+$0xCE10]  }
0x1b4: {  	v13 =	vld [tilespmem:s21+$0xCE20]  }
0x1b5: {  	v12 =	vld [tilespmem:s21+$0xCE30]  }
0x1b6: {  	v10 =	vld [tilespmem:s22+$0xCE80]  }
0x1b7: {  	v8 =	vld [tilespmem:s22+$0xCE90]  }
0x1b8: {  	v11 =	vld [tilespmem:s22+$0xCEA0]  }
0x1b9: {  	v9 =	vld [tilespmem:s22+$0xCEB0]  }
0x1ba: {  	v7 =	vld [tilespmem:s10+$0xCF00]  }
0x1bb: {  	v6 =	vld [tilespmem:s10+$0xCF10]  }
0x1bc: {  	v5 =	vld [tilespmem:s10+$0xCF20]  }
0x1bd: {  	v4 =	vld [tilespmem:s10+$0xCF30]  }
0x1be: {  	v32 =	vld [tilespmem:s15+$0x440]  }
0x1bf: {  	v33 =	vld [tilespmem:s15+$0x450]  }
0x1c0: {  	v34 =	vld [tilespmem:s15+$0x480]  }
0x1c1: {  	v35 =	vld [tilespmem:s15+$0x490]  }
0x1c2: {  	v36 =	vld [tilespmem:s15+$0x4A0]  }
0x1c3: {  	v17 =	vmul.f32 v17, v32;
	v32 =	vld [tilespmem:s15+$0x4B0]  }
0x1c4: {  	v18 =	vmul.f32 v18, v33;
	v33 =	vld [tilespmem:s15+$0x4C0]  }
0x1c5: {  	v17 =	vadd.f32 v17, v19;
	v19 =	vld [tilespmem:s15+$0x4D0];
	v37 =	vmul.f32 v16, v34;
	v34 =	vmul.f32 v22, v34  }
0x1c6: {  	v18 =	vadd.f32 v18, v20;
	v20 =	vmul.f32 v21, v35;
	v35 =	vmul.f32 v23, v35;
	v38 =	vld [tilespmem:s15+$0x500]  }
0x1c7: {  	[tilespmem:s15+$0x19400] =	vst v17;
	v16 =	vmul.f32 v16, v36;
	v17 =	vld [tilespmem:s15+$0x510]  }
0x1c8: {  	[tilespmem:s15+$0x19410] =	vst v18;
	v18 =	vmul.f32 v21, v32;
	v21 =	vld [tilespmem:s15+$0x520]  }
0x1c9: {  	v22 =	vmul.f32 v22, v33;
	v16 =	vadd.f32 v34, v16;
	v32 =	vld [tilespmem:s15+$0x530]  }
0x1ca: {  	v19 =	vmul.f32 v23, v19;
	v18 =	vadd.f32 v35, v18;
	v23 =	vld [tilespmem:s15+$0x540]  }
0x1cb: {  	v22 =	vadd.f32 v22, v37;
	[tilespmem:s15+$0x194A0] =	vst v16;
	v16 =	vld [tilespmem:s15+$0x550];
	v33 =	vmul.f32 v24, v38;
	v34 =	vmul.f32 v26, v38  }
0x1cc: {  	v19 =	vadd.f32 v19, v20;
	[tilespmem:s15+$0x194B0] =	vst v18;
	v18 =	vmul.f32 v25, v17;
	v17 =	vmul.f32 v27, v17;
	v20 =	vld [tilespmem:s15+$0x580]  }
0x1cd: {  	[tilespmem:s15+$0x19480] =	vst v22;
	v21 =	vmul.f32 v24, v21;
	v22 =	vld [tilespmem:s15+$0x590]  }
0x1ce: {  	[tilespmem:s15+$0x19490] =	vst v19;
	v19 =	vmul.f32 v25, v32;
	v24 =	vld [tilespmem:s15+$0x5A0]  }
0x1cf: {  	v23 =	vmul.f32 v26, v23;
	v21 =	vadd.f32 v34, v21;
	v25 =	vld [tilespmem:s15+$0x5B0]  }
0x1d0: {  	v16 =	vmul.f32 v27, v16;
	v17 =	vadd.f32 v17, v19;
	v19 =	vld [tilespmem:s15+$0x5C0]  }
0x1d1: {  	v23 =	vadd.f32 v23, v33;
	[tilespmem:s15+$0x19520] =	vst v21;
	v21 =	vld [tilespmem:s15+$0x5D0];
	v26 =	vmul.f32 v28, v20;
	v20 =	vmul.f32 v30, v20  }
0x1d2: {  	v16 =	vadd.f32 v16, v18;
	[tilespmem:s15+$0x19530] =	vst v17;
	v17 =	vmul.f32 v29, v22;
	v18 =	vmul.f32 v31, v22;
	v22 =	vld [tilespmem:s15+$0x600]  }
0x1d3: {  	[tilespmem:s15+$0x19500] =	vst v23;
	v23 =	vmul.f32 v28, v24;
	v27 =	vld [tilespmem:s15+$0x610]  }
0x1d4: {  	[tilespmem:s15+$0x19510] =	vst v16;
	v16 =	vmul.f32 v29, v25;
	v25 =	vld [tilespmem:s15+$0x620]  }
.Ltmp1:
0x1d5: {  	v24 =	vmul.f32 v30, v19;
	v20 =	vadd.f32 v20, v23;
	v19 =	vld [tilespmem:s15+$0x630];
	(pc) =	sbr.rel @p0 .LBB2_5-.Ltmp1, $4  }
0x1d6: {  	v23 =	vmul.f32 v31, v21;
	v16 =	vadd.f32 v18, v16;
	v21 =	vld [tilespmem:s15+$0x640]  }
0x1d7: {  	v26 =	vadd.f32 v24, v26;
	[tilespmem:s15+$0x195A0] =	vst v20;
	v20 =	vld [tilespmem:s15+$0x650];
	v18 =	vmul.f32 v15, v22;
	v22 =	vmul.f32 v13, v22  }
0x1d8: {  	v24 =	vadd.f32 v23, v17;
	[tilespmem:s15+$0x195B0] =	vst v16;
	v16 =	vmul.f32 v14, v27;
	v23 =	vmul.f32 v12, v27;
	v17 =	vld [tilespmem:s15+$0x680]  }
0x1d9: {  	s5 =	sadd.s32 $0x8, s5;
	[tilespmem:s15+$0x19580] =	vst v26;
	v25 =	vmul.f32 v15, v25;
	v15 =	vld [tilespmem:s15+$0x690]  }
0x1da: {  	v26 =	vld [tilespmem:s15+$0x6A0]  }
0x1db: {  	v27 =	vld [tilespmem:s15+$0x6B0]  }
0x1dc: {  	v28 =	vld [tilespmem:s15+$0x6C0]  }
0x1dd: {  	v29 =	vld [tilespmem:s15+$0x6D0]  }
0x1de: {  	v30 =	vld [tilespmem:s15+$0x700]  }
0x1df: {  	v14 =	vmul.f32 v14, v19;
	v63 =	vld [tilespmem:s15+$0x710]  }
0x1e0: {  	v31 =	vld [tilespmem:s15+$0x720];
	v13 =	vmul.f32 v13, v21;
	v25 =	vadd.f32 v22, v25  }
0x1e1: {  	[tilespmem:s15+$0x19590] =	vst v24;
	v32 =	vld [tilespmem:s15+$0x730];
	v12 =	vmul.f32 v12, v20;
	v14 =	vadd.f32 v23, v14  }
0x1e2: {  	v35 =	vld [tilespmem:s15+$0x740];
	v13 =	vadd.f32 v13, v18;
	[tilespmem:s15+$0x19620] =	vst v25;
	v33 =	vmul.f32 v11, v17;
	v34 =	vmul.f32 v10, v26  }
0x1e3: {  	v38 =	vld [tilespmem:s15+$0x750];
	v12 =	vadd.f32 v12, v16;
	[tilespmem:s15+$0x19630] =	vst v14;
	v36 =	vmul.f32 v9, v15;
	v37 =	vmul.f32 v8, v27  }
0x1e4: {  	v42 =	vld [tilespmem:s15+$0x780];
	v39 =	vmul.f32 v10, v17;
	[tilespmem:s15+$0x19600] =	vst v13;
	v40 =	vmul.f32 v11, v28;
	v41 =	vadd.f32 v33, v34  }
0x1e5: {  	v46 =	vld [tilespmem:s15+$0x7A0];
	v43 =	vmul.f32 v8, v15;
	v44 =	vmul.f32 v9, v29;
	[tilespmem:s15+$0x19610] =	vst v12;
	v45 =	vadd.f32 v36, v37  }
0x1e6: {  	v49 =	vld [tilespmem:s15+$0x7C0];
	v47 =	vmul.f32 v5, v30;
	v48 =	vmul.f32 v7, v31;
	v10 =	vadd.f32 v40, v39;
	[tilespmem:s15+$0x196A0] =	vst v41  }
0x1e7: {  	v52 =	vld [tilespmem:s15+$0x7D0];
	v50 =	vmul.f32 v4, v63;
	v51 =	vmul.f32 v6, v32;
	v8 =	vadd.f32 v44, v43;
	[tilespmem:s15+$0x196B0] =	vst v45  }
0x1e8: {  	v53 =	vmul.f32 v7, v30;
	v54 =	vmul.f32 v5, v35;
	v55 =	vadd.f32 v47, v48;
	[tilespmem:s15+$0x19680] =	vst v10  }
0x1e9: {  	v56 =	vmul.f32 v6, v63;
	v57 =	vmul.f32 v4, v38;
	v58 =	vadd.f32 v50, v51;
	[tilespmem:s15+$0x19690] =	vst v8  }
0x1ea: {  	v59 =	vmul.f32 v1, v42;
	v60 =	vmul.f32 v2, v46;
	v5 =	vadd.f32 v54, v53;
	[tilespmem:s15+$0x19720] =	vst v55  }
0x1eb: {  	s2 =	sadd.s32 $0x1, s2;
	v61 =	vmul.f32 v2, v42;
	v62 =	vmul.f32 v1, v49;
	v4 =	vadd.f32 v57, v56;
	[tilespmem:s15+$0x19730] =	vst v58  }
0x1ec: {  	p0 =	sne.s32 s2, $0x40;
	v0 =	vmul.f32 v0, v52;
	v63 =	vadd.f32 v59, v60;
	[tilespmem:s15+$0x19700] =	vst v5  }
.Ltmp2:
0x1ed: {  	v1 =	vadd.f32 v62, v61;
	[tilespmem:s15+$0x19710] =	vst v4;
	(pc) =	sbr.rel @p0 .LBB2_2-.Ltmp2, $4  }
0x1ee: {  	s0 =	smul.u32 $0xC80, s12;
	v0 =	vadd.f32 v0, v3;
	[tilespmem:s15+$0x197A0] =	vst v63  }
0x1ef: {  	[tilespmem:s15+$0x19780] =	vst v1  }
0x1f0: {  	s0 =	sadd.s32 s6, s0;
	[tilespmem:s15+$0x19790] =	vst v0  }
0x1f1: {  	[hbm4b:s0+s3] =	stream.linear.scatter [tilespmem:s29], [sflag:$0x4], $0x6400, $0x38;
	[tilespmem:$0x1F800] =	vst v63  }
0x1f2: {  	s0 =	simm.s32 $0x3  }
0x1f3: {  	_ =	swait.ge [sflag:s0], $0x6400  }
0x1f4: {  	[sflag:s0] =	ssyncset.done $0x0  }
0x1f5: {  	s2 =	simm.s32 $0x4;
	[sflag:s0] =	ssyncadd.s32 $0xFFFF9C00  }
0x1f6: {  	_ =	swait.ge [sflag:s2], $0x6400  }
0x1f7: {  	s5 =	rddreg [dreg:$0x6]  }
0x1f8: {  	s31 =	rddreg [dreg:$0x5];
	s5 =	sadd.s32 $0x1, s5  }
0x1f9: {  	p0 =	sne.s32 s5, s31  }
.Ltmp3:
0x1fa: {  	_ = 	snop;
	(pc) =	sbr.rel @p0 .LBB2_1-.Ltmp3, $3  }
0x1fb: {  	_ =	sdelay $0x1  }
0x1fc: {  	[sflag:s2] =	ssyncset.done $0x0  }
0x1fd: {  	[sflag:s2] =	ssyncadd.s32 $0xFFFF9C00  }
0x1fe: {  	_ =	sfence.sel $0x180000  }
0x1ff: {  	[bflag:$0x0] =	sbarrier.arrive $0xFFFF  }
0x200: {  	_ =	strace $0x90000047  }
0x201: {  	s0 =	stileid.u32;
	[bflag:$0x2] =	sbarrier.arrive $0xFFFF  }
0x202: {  	p0 =	sne.s32 s0, $0x0;
	s0 =	rddreg [dreg:$0x2]  }
0x203: {  	s0 =	sadd.s32 @!p0 $0x100000, s0  }
0x204: {  	[sflag:s0] =	ssyncadd.tile.s32 @!p0 $0x1;
	_ =	shalt  }
.Lfunc_end2:
_tile_overlayer_lowered:
.L_overlay_start_2:
0x205: {  	(tag) =	ssettag $0x2  }
0x206: {  	s0 =	rddreg [dreg:$0x0];
	s2 =	stileid.u32  }
0x207: {  	s1 =	rddreg [dreg:$0x1];
	p0 =	sne.s32 s2, $0x0  }
0x208: {  	s3 =	rddreg [dreg:$0x2];
	[bflag:$0x3] =	sbarrier.arrive $0xFFFF;
	s2 =	simm.s32 @!p0 $0x1C05  }
0x209: {  	[timem:s3], [sflag:s2] =	dma.local @!p0 [hbm:s0], s1  }
0x20a: {  	s0 =	simm.s32 @!p0 $0x5  }
0x20b: {  	_ =	swait.ge @!p0 [sflag:s0], s1  }
0x20c: {  	s1 =	ssub.s32 @!p0 $0x0, s1;
	[sflag:s0] =	ssyncset.done @!p0 $0x0  }
0x20d: {  	[sflag:s0] =	ssyncadd.s32 @!p0 s1  }
0x20e: {  	[bflag:$0x3] =	sbarrier.arrive $0xFFFF  }
0x20f: {  	_ =	shalt  }

</sc_bundles>
